<compile_context>
chip_gen: v7x
topology: tpu7x:2x2x1
jax: 0.10.2.dev20260603
libtpu: 0.0.44.dev20260713+nightly
codegen_flags: <defaults>
</compile_context>

<pallas_src>
import functools

import jax
import jax.numpy as jnp
from jax import lax
from jax.experimental import pallas as pl
from jax.experimental.pallas import tpu as pltpu
from jax.experimental.pallas import tpu_sc as plsc

_VOCAB = 100000
_NC, _NS, _L = 2, 16, 16
_NW = _NC * _NS
_RCHUNK = 40
_NBUF = 2


def _gather_call(idx_t, vocab_table):
    rows, cols = idx_t.shape
    cb = cols // _NW
    nchunks = rows // _RCHUNK
    rpair = _RCHUNK // 2
    nv = cb // _L
    mesh = plsc.VectorSubcoreMesh(core_axis_name="c", subcore_axis_name="s")

    @functools.partial(
        pl.kernel,
        mesh=mesh,
        compiler_params=pltpu.CompilerParams(needs_layout_passes=False),
        out_type=jax.ShapeDtypeStruct((rows, cols), jnp.float32),
        scratch_types=[
            pltpu.VMEM_SHARED((_VOCAB,), jnp.float32),
            pltpu.VMEM((_VOCAB,), jnp.float32),
            pltpu.VMEM((_RCHUNK, cb), jnp.int32),
            pltpu.VMEM((_RCHUNK, cb), jnp.int32),
            pltpu.VMEM((_RCHUNK, cb), jnp.float32),
            pltpu.VMEM((_RCHUNK, cb), jnp.float32),
            pltpu.SemaphoreType.DMA,
            pltpu.SemaphoreType.DMA,
            pltpu.SemaphoreType.DMA,
            pltpu.SemaphoreType.DMA,
            pltpu.SemaphoreType.DMA,
        ],
    )
    def k(table_hbm, idx_hbm, out_hbm, table_sh, table_v, idx_v0, idx_v1,
          out_v0, out_v1, sem_t, sem_i0, sem_i1, sem_o0, sem_o1):
        idx_b = (idx_v0, idx_v1)
        out_b = (out_v0, out_v1)
        sem_i = (sem_i0, sem_i1)
        sem_o = (sem_o0, sem_o1)
        nib = len(idx_b)
        wid = lax.axis_index("s") * _NC + lax.axis_index("c")
        col0 = wid * cb

        i_cp = [None] * nchunks
        o_cp = [None] * nchunks
        for c in range(min(nib, nchunks)):
            i_cp[c] = pltpu.async_copy(
                idx_hbm.at[pl.ds(c * _RCHUNK, _RCHUNK), pl.ds(col0, cb)],
                idx_b[c % nib], sem_i[c % nib])
        @pl.when(lax.axis_index("s") == 0)
        def _load_spmem():
            pltpu.sync_copy(table_hbm, table_sh)

        plsc.subcore_barrier()
        t_cp = pltpu.async_copy(table_sh, table_v, sem_t)
        t_cp.wait()

        for c in range(nchunks):
            i_cp[c].wait()
            if c >= _NBUF:
                o_cp[c - _NBUF].wait()
            src = idx_b[c % nib]
            dst = out_b[c % _NBUF]

            def body(r, carry):
                locs = [(r * 2 + j, pl.ds(v * _L, _L))
                        for j in range(2) for v in range(nv)]
                idxs = [src[rr, sl] for rr, sl in locs]
                vals = [plsc.load_gather(table_v, [ix]) for ix in idxs]
                for (rr, sl), v in zip(locs, vals):
                    dst[rr, sl] = v
                return carry

            lax.fori_loop(0, rpair, body, 0)
            o_cp[c] = pltpu.async_copy(
                dst, out_hbm.at[pl.ds(c * _RCHUNK, _RCHUNK), pl.ds(col0, cb)],
                sem_o[c % _NBUF])
            if c + nib < nchunks:
                i_cp[c + nib] = pltpu.async_copy(
                    idx_hbm.at[pl.ds((c + nib) * _RCHUNK, _RCHUNK),
                               pl.ds(col0, cb)],
                    idx_b[c % nib], sem_i[c % nib])
        o_cp[nchunks - 2].wait()
        o_cp[nchunks - 1].wait()

    return k(vocab_table, idx_t)


def kernel(token_ids, vocab_table):
    out_t = _gather_call(token_ids.T, vocab_table)
    return out_t.T

# --- scband reference (transcript-rebuilt; emitter-appended) ---
"""Pipeline reference for scband-bert-preprocessing-layer-11115375362146 (READ-ONLY COPY).

The authoritative reference and input builder live on the scoring server;
editing this copy changes nothing except your own understanding.
"""

import jax, jax.numpy as jnp
import numpy as np

VOCAB_SIZE = 100000
SEQ_LEN = 200
BATCH = 4096


def setup_inputs(seed: int = 0) -> dict:
    key = jax.random.key(seed)
    k1, k2 = jax.random.split(key)
    # Pre-tokenized raw token ids (stand-in for the string inputs of TextVectorization,
    # since jax cannot process strings). Each raw id indexes the vocabulary map.
    token_ids = jax.random.randint(k1, (BATCH, SEQ_LEN), 0, VOCAB_SIZE, dtype=jnp.int32)
    # Vocabulary remap table: raw token id -> vectorized vocab id.
    # TextVectorization reserves 0 = padding, 1 = OOV, so vocab terms start at 2.
    perm = jax.random.permutation(k2, VOCAB_SIZE) + 2
    vocab_table = perm.astype(jnp.float32)
    return {"token_ids": token_ids, "vocab_table": vocab_table}


def reference(token_ids, vocab_table):
    # BertPreprocessingLayer.call -> TextVectorization:
    # 1) tokenize (modeled as precomputed token_ids)
    # 2) vocabulary lookup: raw token -> vocab id (pure gather, memory-bound)
    ids = jnp.take(vocab_table, token_ids, axis=0)
    # 3) pad / truncate to output_sequence_length
    out = ids[:, :SEQ_LEN]
    pad = SEQ_LEN - out.shape[1]
    out = jnp.pad(out, ((0, 0), (0, pad)))
    return out

if __name__ == "__main__":
    import jax
    _d = setup_inputs()
    print(jax.jit(kernel)(*tuple(_d.values())))

</pallas_src>

<mosaic_0001>
#map = affine_map<(d0, d1) -> (0)>
#map1 = affine_map<(d0, d1) -> (0, 0)>
module attributes {stable_mosaic.version = 14 : i64} {
  func.func @k(%arg0: i32, %arg1: i32, %arg2: memref<100000xf32, #tpu.memory_space<hbm>>, %arg3: memref<200x4096xi32, #tpu.memory_space<hbm>>, %arg4: memref<200x4096xf32, #tpu.memory_space<hbm>>, %arg5: memref<100000xf32, #tpu.memory_space<vmem_shared>>, %arg6: memref<100000xf32, #tpu.memory_space<vmem>>, %arg7: memref<40x128xi32, #tpu.memory_space<vmem>>, %arg8: memref<40x128xi32, #tpu.memory_space<vmem>>, %arg9: memref<40x128xf32, #tpu.memory_space<vmem>>, %arg10: memref<40x128xf32, #tpu.memory_space<vmem>>, %arg11: memref<!tpu.dma_semaphore, #tpu.memory_space<semaphore_mem>>, %arg12: memref<!tpu.dma_semaphore, #tpu.memory_space<semaphore_mem>>, %arg13: memref<!tpu.dma_semaphore, #tpu.memory_space<semaphore_mem>>, %arg14: memref<!tpu.dma_semaphore, #tpu.memory_space<semaphore_mem>>, %arg15: memref<!tpu.dma_semaphore, #tpu.memory_space<semaphore_mem>>) attributes {dimension_semantics = [#tpu.dimension_semantics<core_parallel>, #tpu.dimension_semantics<subcore_parallel>], iteration_bounds = array<i64: 2, 16>, scalar_prefetch = 0 : i64, scratch_operands = 11 : i64, tpu.core_type = #tpu.core_type<sc_vector_subcore>, window_params = [{transform_indices = #map}, {transform_indices = #map1}, {transform_indices = #map1}]} {
    %mul3A = arith.constant 2 : i32
    %mul3A_0 = arith.muli %arg1, %mul3A : i32
    %add3A = arith.addi %mul3A_0, %arg0 : i32
    %mul3A_1 = arith.constant 128 : i32
    %mul3A_2 = arith.muli %add3A, %mul3A_1 : i32
    %dma_start3A = arith.constant 0 : i32
    %dma_start3A_3 = tpu.memref_slice %arg3[%dma_start3A, %mul3A_2] : memref<200x4096xi32, #tpu.memory_space<hbm>> -> memref<40x128xi32, #tpu.memory_space<hbm>>
    %dma_start3A_4 = arith.constant 0 : i32
    %dma_start3A_5 = tpu.memref_slice %arg3[%dma_start3A_4, %mul3A_2] : memref<200x4096xi32, #tpu.memory_space<hbm>> -> memref<40x128xi32, #tpu.memory_space<hbm>>
    tpu.enqueue_dma source(%dma_start3A_5 : memref<40x128xi32, #tpu.memory_space<hbm>>) target(%arg7 : memref<40x128xi32, #tpu.memory_space<vmem>>) target_semaphore(%arg12 : memref<!tpu.dma_semaphore, #tpu.memory_space<semaphore_mem>>)
    %dma_start3A_6 = arith.constant 40 : i32
    %dma_start3A_7 = tpu.memref_slice %arg3[%dma_start3A_6, %mul3A_2] : memref<200x4096xi32, #tpu.memory_space<hbm>> -> memref<40x128xi32, #tpu.memory_space<hbm>>
    %dma_start3A_8 = arith.constant 40 : i32
    %dma_start3A_9 = tpu.memref_slice %arg3[%dma_start3A_8, %mul3A_2] : memref<200x4096xi32, #tpu.memory_space<hbm>> -> memref<40x128xi32, #tpu.memory_space<hbm>>
    tpu.enqueue_dma source(%dma_start3A_9 : memref<40x128xi32, #tpu.memory_space<hbm>>) target(%arg8 : memref<40x128xi32, #tpu.memory_space<vmem>>) target_semaphore(%arg13 : memref<!tpu.dma_semaphore, #tpu.memory_space<semaphore_mem>>)
    %eq3A = arith.constant 0 : i32
    %eq3A_10 = arith.cmpi eq, %arg1, %eq3A : i32
    %convert_element_type3A = arith.extui %eq3A_10 : i1 to i32
    %cond3A = arith.constant 0 : i32
    %cond3A_11 = arith.cmpi ne, %convert_element_type3A, %cond3A : i32
    scf.if %cond3A_11 {
      "tpu.region"() ({
        %run_scoped3A = tpu.sem_alloc : memref<!tpu.dma_semaphore, #tpu.memory_space<semaphore_mem>>
        tpu.enqueue_dma source(%arg2 : memref<100000xf32, #tpu.memory_space<hbm>>) target(%arg5 : memref<100000xf32, #tpu.memory_space<vmem_shared>>) target_semaphore(%run_scoped3A : memref<!tpu.dma_semaphore, #tpu.memory_space<semaphore_mem>>)
        tpu.wait_dma2 semaphore(%run_scoped3A : memref<!tpu.dma_semaphore, #tpu.memory_space<semaphore_mem>>) src(%arg2 : memref<100000xf32, #tpu.memory_space<hbm>>) dst(%arg5 : memref<100000xf32, #tpu.memory_space<vmem_shared>>)
        tpu.yield
      }) : () -> ()
    } else {
    }
    %barrier3A = arith.constant 0 : index
    tpu.barrier barrier_id(%barrier3A)
    tpu.enqueue_dma source(%arg5 : memref<100000xf32, #tpu.memory_space<vmem_shared>>) target(%arg6 : memref<100000xf32, #tpu.memory_space<vmem>>) target_semaphore(%arg11 : memref<!tpu.dma_semaphore, #tpu.memory_space<semaphore_mem>>)
    tpu.wait_dma2 semaphore(%arg11 : memref<!tpu.dma_semaphore, #tpu.memory_space<semaphore_mem>>) src(%arg5 : memref<100000xf32, #tpu.memory_space<vmem_shared>>) dst(%arg6 : memref<100000xf32, #tpu.memory_space<vmem>>)
    %dma_wait3A = arith.constant 0 : i32
    %dma_wait3A_12 = tpu.memref_slice %arg3[%dma_wait3A, %mul3A_2] : memref<200x4096xi32, #tpu.memory_space<hbm>> -> memref<40x128xi32, #tpu.memory_space<hbm>>
    %dma_wait3A_13 = arith.constant 0 : i32
    %dma_wait3A_14 = tpu.memref_slice %arg3[%dma_wait3A_13, %mul3A_2] : memref<200x4096xi32, #tpu.memory_space<hbm>> -> memref<40x128xi32, #tpu.memory_space<hbm>>
    tpu.wait_dma2 semaphore(%arg12 : memref<!tpu.dma_semaphore, #tpu.memory_space<semaphore_mem>>) src(%dma_wait3A_14 : memref<40x128xi32, #tpu.memory_space<hbm>>) dst(%arg7 : memref<40x128xi32, #tpu.memory_space<vmem>>)
    %scan3A = arith.constant 0 : i32
    %scan3A_15 = arith.constant 0 : i32
    %scan3A_16 = arith.constant 20 : i32
    %scan3A_17 = arith.addi %scan3A_15, %scan3A_16 : i32
    %scan3A_18 = arith.constant 1 : i32
    scf.for %scan3A_112 = %scan3A_15 to %scan3A_17 step %scan3A_18  : i32 {
      %mul3A_113 = arith.constant 2 : i32
      %mul3A_114 = arith.muli %scan3A_112, %mul3A_113 : i32
      %add3A_115 = arith.constant 0 : i32
      %add3A_116 = arith.addi %mul3A_114, %add3A_115 : i32
      %mul3A_117 = arith.constant 2 : i32
      %mul3A_118 = arith.muli %scan3A_112, %mul3A_117 : i32
      %add3A_119 = arith.constant 0 : i32
      %add3A_120 = arith.addi %mul3A_118, %add3A_119 : i32
      %mul3A_121 = arith.constant 2 : i32
      %mul3A_122 = arith.muli %scan3A_112, %mul3A_121 : i32
      %add3A_123 = arith.constant 0 : i32
      %add3A_124 = arith.addi %mul3A_122, %add3A_123 : i32
      %mul3A_125 = arith.constant 2 : i32
      %mul3A_126 = arith.muli %scan3A_112, %mul3A_125 : i32
      %add3A_127 = arith.constant 0 : i32
      %add3A_128 = arith.addi %mul3A_126, %add3A_127 : i32
      %mul3A_129 = arith.constant 2 : i32
      %mul3A_130 = arith.muli %scan3A_112, %mul3A_129 : i32
      %add3A_131 = arith.constant 0 : i32
      %add3A_132 = arith.addi %mul3A_130, %add3A_131 : i32
      %mul3A_133 = arith.constant 2 : i32
      %mul3A_134 = arith.muli %scan3A_112, %mul3A_133 : i32
      %add3A_135 = arith.constant 0 : i32
      %add3A_136 = arith.addi %mul3A_134, %add3A_135 : i32
      %mul3A_137 = arith.constant 2 : i32
      %mul3A_138 = arith.muli %scan3A_112, %mul3A_137 : i32
      %add3A_139 = arith.constant 0 : i32
      %add3A_140 = arith.addi %mul3A_138, %add3A_139 : i32
      %mul3A_141 = arith.constant 2 : i32
      %mul3A_142 = arith.muli %scan3A_112, %mul3A_141 : i32
      %add3A_143 = arith.constant 0 : i32
      %add3A_144 = arith.addi %mul3A_142, %add3A_143 : i32
      %mul3A_145 = arith.constant 2 : i32
      %mul3A_146 = arith.muli %scan3A_112, %mul3A_145 : i32
      %add3A_147 = arith.constant 1 : i32
      %add3A_148 = arith.addi %mul3A_146, %add3A_147 : i32
      %mul3A_149 = arith.constant 2 : i32
      %mul3A_150 = arith.muli %scan3A_112, %mul3A_149 : i32
      %add3A_151 = arith.constant 1 : i32
      %add3A_152 = arith.addi %mul3A_150, %add3A_151 : i32
      %mul3A_153 = arith.constant 2 : i32
      %mul3A_154 = arith.muli %scan3A_112, %mul3A_153 : i32
      %add3A_155 = arith.constant 1 : i32
      %add3A_156 = arith.addi %mul3A_154, %add3A_155 : i32
      %mul3A_157 = arith.constant 2 : i32
      %mul3A_158 = arith.muli %scan3A_112, %mul3A_157 : i32
      %add3A_159 = arith.constant 1 : i32
      %add3A_160 = arith.addi %mul3A_158, %add3A_159 : i32
      %mul3A_161 = arith.constant 2 : i32
      %mul3A_162 = arith.muli %scan3A_112, %mul3A_161 : i32
      %add3A_163 = arith.constant 1 : i32
      %add3A_164 = arith.addi %mul3A_162, %add3A_163 : i32
      %mul3A_165 = arith.constant 2 : i32
      %mul3A_166 = arith.muli %scan3A_112, %mul3A_165 : i32
      %add3A_167 = arith.constant 1 : i32
      %add3A_168 = arith.addi %mul3A_166, %add3A_167 : i32
      %mul3A_169 = arith.constant 2 : i32
      %mul3A_170 = arith.muli %scan3A_112, %mul3A_169 : i32
      %add3A_171 = arith.constant 1 : i32
      %add3A_172 = arith.addi %mul3A_170, %add3A_171 : i32
      %mul3A_173 = arith.constant 2 : i32
      %mul3A_174 = arith.muli %scan3A_112, %mul3A_173 : i32
      %add3A_175 = arith.constant 1 : i32
      %add3A_176 = arith.addi %mul3A_174, %add3A_175 : i32
      %get3A = arith.index_cast %add3A_116 : i32 to index
      %get3A_177 = arith.constant 0 : index
      %get3A_178 = tpu.vector_load %arg7[%get3A, %get3A_177] {strides = array<i32>} : memref<40x128xi32, #tpu.memory_space<vmem>>, vector<16xi32>,
      %get3A_179 = arith.index_cast %add3A_120 : i32 to index
      %get3A_180 = arith.constant 16 : index
      %get3A_181 = tpu.vector_load %arg7[%get3A_179, %get3A_180] {strides = array<i32>} : memref<40x128xi32, #tpu.memory_space<vmem>>, vector<16xi32>,
      %get3A_182 = arith.index_cast %add3A_124 : i32 to index
      %get3A_183 = arith.constant 32 : index
      %get3A_184 = tpu.vector_load %arg7[%get3A_182, %get3A_183] {strides = array<i32>} : memref<40x128xi32, #tpu.memory_space<vmem>>, vector<16xi32>,
      %get3A_185 = arith.index_cast %add3A_128 : i32 to index
      %get3A_186 = arith.constant 48 : index
      %get3A_187 = tpu.vector_load %arg7[%get3A_185, %get3A_186] {strides = array<i32>} : memref<40x128xi32, #tpu.memory_space<vmem>>, vector<16xi32>,
      %get3A_188 = arith.index_cast %add3A_132 : i32 to index
      %get3A_189 = arith.constant 64 : index
      %get3A_190 = tpu.vector_load %arg7[%get3A_188, %get3A_189] {strides = array<i32>} : memref<40x128xi32, #tpu.memory_space<vmem>>, vector<16xi32>,
      %get3A_191 = arith.index_cast %add3A_136 : i32 to index
      %get3A_192 = arith.constant 80 : index
      %get3A_193 = tpu.vector_load %arg7[%get3A_191, %get3A_192] {strides = array<i32>} : memref<40x128xi32, #tpu.memory_space<vmem>>, vector<16xi32>,
      %get3A_194 = arith.index_cast %add3A_140 : i32 to index
      %get3A_195 = arith.constant 96 : index
      %get3A_196 = tpu.vector_load %arg7[%get3A_194, %get3A_195] {strides = array<i32>} : memref<40x128xi32, #tpu.memory_space<vmem>>, vector<16xi32>,
      %get3A_197 = arith.index_cast %add3A_144 : i32 to index
      %get3A_198 = arith.constant 112 : index
      %get3A_199 = tpu.vector_load %arg7[%get3A_197, %get3A_198] {strides = array<i32>} : memref<40x128xi32, #tpu.memory_space<vmem>>, vector<16xi32>,
      %get3A_200 = arith.index_cast %add3A_148 : i32 to index
      %get3A_201 = arith.constant 0 : index
      %get3A_202 = tpu.vector_load %arg7[%get3A_200, %get3A_201] {strides = array<i32>} : memref<40x128xi32, #tpu.memory_space<vmem>>, vector<16xi32>,
      %get3A_203 = arith.index_cast %add3A_152 : i32 to index
      %get3A_204 = arith.constant 16 : index
      %get3A_205 = tpu.vector_load %arg7[%get3A_203, %get3A_204] {strides = array<i32>} : memref<40x128xi32, #tpu.memory_space<vmem>>, vector<16xi32>,
      %get3A_206 = arith.index_cast %add3A_156 : i32 to index
      %get3A_207 = arith.constant 32 : index
      %get3A_208 = tpu.vector_load %arg7[%get3A_206, %get3A_207] {strides = array<i32>} : memref<40x128xi32, #tpu.memory_space<vmem>>, vector<16xi32>,
      %get3A_209 = arith.index_cast %add3A_160 : i32 to index
      %get3A_210 = arith.constant 48 : index
      %get3A_211 = tpu.vector_load %arg7[%get3A_209, %get3A_210] {strides = array<i32>} : memref<40x128xi32, #tpu.memory_space<vmem>>, vector<16xi32>,
      %get3A_212 = arith.index_cast %add3A_164 : i32 to index
      %get3A_213 = arith.constant 64 : index
      %get3A_214 = tpu.vector_load %arg7[%get3A_212, %get3A_213] {strides = array<i32>} : memref<40x128xi32, #tpu.memory_space<vmem>>, vector<16xi32>,
      %get3A_215 = arith.index_cast %add3A_168 : i32 to index
      %get3A_216 = arith.constant 80 : index
      %get3A_217 = tpu.vector_load %arg7[%get3A_215, %get3A_216] {strides = array<i32>} : memref<40x128xi32, #tpu.memory_space<vmem>>, vector<16xi32>,
      %get3A_218 = arith.index_cast %add3A_172 : i32 to index
      %get3A_219 = arith.constant 96 : index
      %get3A_220 = tpu.vector_load %arg7[%get3A_218, %get3A_219] {strides = array<i32>} : memref<40x128xi32, #tpu.memory_space<vmem>>, vector<16xi32>,
      %get3A_221 = arith.index_cast %add3A_176 : i32 to index
      %get3A_222 = arith.constant 112 : index
      %get3A_223 = tpu.vector_load %arg7[%get3A_221, %get3A_222] {strides = array<i32>} : memref<40x128xi32, #tpu.memory_space<vmem>>, vector<16xi32>,
      %gather3A = tpu.vector_load_idx %arg6[%get3A_178] : memref<100000xf32, #tpu.memory_space<vmem>>[vector<16xi32>], vector<16xf32>,
      %gather3A_224 = tpu.vector_load_idx %arg6[%get3A_181] : memref<100000xf32, #tpu.memory_space<vmem>>[vector<16xi32>], vector<16xf32>,
      %gather3A_225 = tpu.vector_load_idx %arg6[%get3A_184] : memref<100000xf32, #tpu.memory_space<vmem>>[vector<16xi32>], vector<16xf32>,
      %gather3A_226 = tpu.vector_load_idx %arg6[%get3A_187] : memref<100000xf32, #tpu.memory_space<vmem>>[vector<16xi32>], vector<16xf32>,
      %gather3A_227 = tpu.vector_load_idx %arg6[%get3A_190] : memref<100000xf32, #tpu.memory_space<vmem>>[vector<16xi32>], vector<16xf32>,
      %gather3A_228 = tpu.vector_load_idx %arg6[%get3A_193] : memref<100000xf32, #tpu.memory_space<vmem>>[vector<16xi32>], vector<16xf32>,
      %gather3A_229 = tpu.vector_load_idx %arg6[%get3A_196] : memref<100000xf32, #tpu.memory_space<vmem>>[vector<16xi32>], vector<16xf32>,
      %gather3A_230 = tpu.vector_load_idx %arg6[%get3A_199] : memref<100000xf32, #tpu.memory_space<vmem>>[vector<16xi32>], vector<16xf32>,
      %gather3A_231 = tpu.vector_load_idx %arg6[%get3A_202] : memref<100000xf32, #tpu.memory_space<vmem>>[vector<16xi32>], vector<16xf32>,
      %gather3A_232 = tpu.vector_load_idx %arg6[%get3A_205] : memref<100000xf32, #tpu.memory_space<vmem>>[vector<16xi32>], vector<16xf32>,
      %gather3A_233 = tpu.vector_load_idx %arg6[%get3A_208] : memref<100000xf32, #tpu.memory_space<vmem>>[vector<16xi32>], vector<16xf32>,
      %gather3A_234 = tpu.vector_load_idx %arg6[%get3A_211] : memref<100000xf32, #tpu.memory_space<vmem>>[vector<16xi32>], vector<16xf32>,
      %gather3A_235 = tpu.vector_load_idx %arg6[%get3A_214] : memref<100000xf32, #tpu.memory_space<vmem>>[vector<16xi32>], vector<16xf32>,
      %gather3A_236 = tpu.vector_load_idx %arg6[%get3A_217] : memref<100000xf32, #tpu.memory_space<vmem>>[vector<16xi32>], vector<16xf32>,
      %gather3A_237 = tpu.vector_load_idx %arg6[%get3A_220] : memref<100000xf32, #tpu.memory_space<vmem>>[vector<16xi32>], vector<16xf32>,
      %gather3A_238 = tpu.vector_load_idx %arg6[%get3A_223] : memref<100000xf32, #tpu.memory_space<vmem>>[vector<16xi32>], vector<16xf32>,
      %swap3A = arith.index_cast %add3A_116 : i32 to index
      %swap3A_239 = arith.constant 0 : index
      %swap3A_240 = tpu.vector_load %arg9[%swap3A, %swap3A_239] {strides = array<i32>} : memref<40x128xf32, #tpu.memory_space<vmem>>, vector<16xf32>,
      tpu.vector_store %arg9[%swap3A, %swap3A_239], %gather3A {strides = array<i32>} : memref<40x128xf32, #tpu.memory_space<vmem>>, vector<16xf32>,
      %swap3A_241 = arith.index_cast %add3A_120 : i32 to index
      %swap3A_242 = arith.constant 16 : index
      %swap3A_243 = tpu.vector_load %arg9[%swap3A_241, %swap3A_242] {strides = array<i32>} : memref<40x128xf32, #tpu.memory_space<vmem>>, vector<16xf32>,
      tpu.vector_store %arg9[%swap3A_241, %swap3A_242], %gather3A_224 {strides = array<i32>} : memref<40x128xf32, #tpu.memory_space<vmem>>, vector<16xf32>,
      %swap3A_244 = arith.index_cast %add3A_124 : i32 to index
      %swap3A_245 = arith.constant 32 : index
      %swap3A_246 = tpu.vector_load %arg9[%swap3A_244, %swap3A_245] {strides = array<i32>} : memref<40x128xf32, #tpu.memory_space<vmem>>, vector<16xf32>,
      tpu.vector_store %arg9[%swap3A_244, %swap3A_245], %gather3A_225 {strides = array<i32>} : memref<40x128xf32, #tpu.memory_space<vmem>>, vector<16xf32>,
      %swap3A_247 = arith.index_cast %add3A_128 : i32 to index
      %swap3A_248 = arith.constant 48 : index
      %swap3A_249 = tpu.vector_load %arg9[%swap3A_247, %swap3A_248] {strides = array<i32>} : memref<40x128xf32, #tpu.memory_space<vmem>>, vector<16xf32>,
      tpu.vector_store %arg9[%swap3A_247, %swap3A_248], %gather3A_226 {strides = array<i32>} : memref<40x128xf32, #tpu.memory_space<vmem>>, vector<16xf32>,
      %swap3A_250 = arith.index_cast %add3A_132 : i32 to index
      %swap3A_251 = arith.constant 64 : index
      %swap3A_252 = tpu.vector_load %arg9[%swap3A_250, %swap3A_251] {strides = array<i32>} : memref<40x128xf32, #tpu.memory_space<vmem>>, vector<16xf32>,
      tpu.vector_store %arg9[%swap3A_250, %swap3A_251], %gather3A_227 {strides = array<i32>} : memref<40x128xf32, #tpu.memory_space<vmem>>, vector<16xf32>,
      %swap3A_253 = arith.index_cast %add3A_136 : i32 to index
      %swap3A_254 = arith.constant 80 : index
      %swap3A_255 = tpu.vector_load %arg9[%swap3A_253, %swap3A_254] {strides = array<i32>} : memref<40x128xf32, #tpu.memory_space<vmem>>, vector<16xf32>,
      tpu.vector_store %arg9[%swap3A_253, %swap3A_254], %gather3A_228 {strides = array<i32>} : memref<40x128xf32, #tpu.memory_space<vmem>>, vector<16xf32>,
      %swap3A_256 = arith.index_cast %add3A_140 : i32 to index
      %swap3A_257 = arith.constant 96 : index
      %swap3A_258 = tpu.vector_load %arg9[%swap3A_256, %swap3A_257] {strides = array<i32>} : memref<40x128xf32, #tpu.memory_space<vmem>>, vector<16xf32>,
      tpu.vector_store %arg9[%swap3A_256, %swap3A_257], %gather3A_229 {strides = array<i32>} : memref<40x128xf32, #tpu.memory_space<vmem>>, vector<16xf32>,
      %swap3A_259 = arith.index_cast %add3A_144 : i32 to index
      %swap3A_260 = arith.constant 112 : index
      %swap3A_261 = tpu.vector_load %arg9[%swap3A_259, %swap3A_260] {strides = array<i32>} : memref<40x128xf32, #tpu.memory_space<vmem>>, vector<16xf32>,
      tpu.vector_store %arg9[%swap3A_259, %swap3A_260], %gather3A_230 {strides = array<i32>} : memref<40x128xf32, #tpu.memory_space<vmem>>, vector<16xf32>,
      %swap3A_262 = arith.index_cast %add3A_148 : i32 to index
      %swap3A_263 = arith.constant 0 : index
      %swap3A_264 = tpu.vector_load %arg9[%swap3A_262, %swap3A_263] {strides = array<i32>} : memref<40x128xf32, #tpu.memory_space<vmem>>, vector<16xf32>,
      tpu.vector_store %arg9[%swap3A_262, %swap3A_263], %gather3A_231 {strides = array<i32>} : memref<40x128xf32, #tpu.memory_space<vmem>>, vector<16xf32>,
      %swap3A_265 = arith.index_cast %add3A_152 : i32 to index
      %swap3A_266 = arith.constant 16 : index
      %swap3A_267 = tpu.vector_load %arg9[%swap3A_265, %swap3A_266] {strides = array<i32>} : memref<40x128xf32, #tpu.memory_space<vmem>>, vector<16xf32>,
      tpu.vector_store %arg9[%swap3A_265, %swap3A_266], %gather3A_232 {strides = array<i32>} : memref<40x128xf32, #tpu.memory_space<vmem>>, vector<16xf32>,
      %swap3A_268 = arith.index_cast %add3A_156 : i32 to index
      %swap3A_269 = arith.constant 32 : index
      %swap3A_270 = tpu.vector_load %arg9[%swap3A_268, %swap3A_269] {strides = array<i32>} : memref<40x128xf32, #tpu.memory_space<vmem>>, vector<16xf32>,
      tpu.vector_store %arg9[%swap3A_268, %swap3A_269], %gather3A_233 {strides = array<i32>} : memref<40x128xf32, #tpu.memory_space<vmem>>, vector<16xf32>,
      %swap3A_271 = arith.index_cast %add3A_160 : i32 to index
      %swap3A_272 = arith.constant 48 : index
      %swap3A_273 = tpu.vector_load %arg9[%swap3A_271, %swap3A_272] {strides = array<i32>} : memref<40x128xf32, #tpu.memory_space<vmem>>, vector<16xf32>,
      tpu.vector_store %arg9[%swap3A_271, %swap3A_272], %gather3A_234 {strides = array<i32>} : memref<40x128xf32, #tpu.memory_space<vmem>>, vector<16xf32>,
      %swap3A_274 = arith.index_cast %add3A_164 : i32 to index
      %swap3A_275 = arith.constant 64 : index
      %swap3A_276 = tpu.vector_load %arg9[%swap3A_274, %swap3A_275] {strides = array<i32>} : memref<40x128xf32, #tpu.memory_space<vmem>>, vector<16xf32>,
      tpu.vector_store %arg9[%swap3A_274, %swap3A_275], %gather3A_235 {strides = array<i32>} : memref<40x128xf32, #tpu.memory_space<vmem>>, vector<16xf32>,
      %swap3A_277 = arith.index_cast %add3A_168 : i32 to index
      %swap3A_278 = arith.constant 80 : index
      %swap3A_279 = tpu.vector_load %arg9[%swap3A_277, %swap3A_278] {strides = array<i32>} : memref<40x128xf32, #tpu.memory_space<vmem>>, vector<16xf32>,
      tpu.vector_store %arg9[%swap3A_277, %swap3A_278], %gather3A_236 {strides = array<i32>} : memref<40x128xf32, #tpu.memory_space<vmem>>, vector<16xf32>,
      %swap3A_280 = arith.index_cast %add3A_172 : i32 to index
      %swap3A_281 = arith.constant 96 : index
      %swap3A_282 = tpu.vector_load %arg9[%swap3A_280, %swap3A_281] {strides = array<i32>} : memref<40x128xf32, #tpu.memory_space<vmem>>, vector<16xf32>,
      tpu.vector_store %arg9[%swap3A_280, %swap3A_281], %gather3A_237 {strides = array<i32>} : memref<40x128xf32, #tpu.memory_space<vmem>>, vector<16xf32>,
      %swap3A_283 = arith.index_cast %add3A_176 : i32 to index
      %swap3A_284 = arith.constant 112 : index
      %swap3A_285 = tpu.vector_load %arg9[%swap3A_283, %swap3A_284] {strides = array<i32>} : memref<40x128xf32, #tpu.memory_space<vmem>>, vector<16xf32>,
      tpu.vector_store %arg9[%swap3A_283, %swap3A_284], %gather3A_238 {strides = array<i32>} : memref<40x128xf32, #tpu.memory_space<vmem>>, vector<16xf32>,
    }
    %scan3A_19 = arith.constant 20 : i32
    %dma_start3A_20 = arith.constant 0 : i32
    %dma_start3A_21 = tpu.memref_slice %arg4[%dma_start3A_20, %mul3A_2] : memref<200x4096xf32, #tpu.memory_space<hbm>> -> memref<40x128xf32, #tpu.memory_space<hbm>>
    %dma_start3A_22 = arith.constant 0 : i32
    %dma_start3A_23 = tpu.memref_slice %arg4[%dma_start3A_22, %mul3A_2] : memref<200x4096xf32, #tpu.memory_space<hbm>> -> memref<40x128xf32, #tpu.memory_space<hbm>>
    tpu.enqueue_dma source(%arg9 : memref<40x128xf32, #tpu.memory_space<vmem>>) target(%dma_start3A_23 : memref<40x128xf32, #tpu.memory_space<hbm>>) target_semaphore(%arg14 : memref<!tpu.dma_semaphore, #tpu.memory_space<semaphore_mem>>)
    %dma_start3A_24 = arith.constant 80 : i32
    %dma_start3A_25 = tpu.memref_slice %arg3[%dma_start3A_24, %mul3A_2] : memref<200x4096xi32, #tpu.memory_space<hbm>> -> memref<40x128xi32, #tpu.memory_space<hbm>>
    %dma_start3A_26 = arith.constant 80 : i32
    %dma_start3A_27 = tpu.memref_slice %arg3[%dma_start3A_26, %mul3A_2] : memref<200x4096xi32, #tpu.memory_space<hbm>> -> memref<40x128xi32, #tpu.memory_space<hbm>>
    tpu.enqueue_dma source(%dma_start3A_27 : memref<40x128xi32, #tpu.memory_space<hbm>>) target(%arg7 : memref<40x128xi32, #tpu.memory_space<vmem>>) target_semaphore(%arg12 : memref<!tpu.dma_semaphore, #tpu.memory_space<semaphore_mem>>)
    %dma_wait3A_28 = arith.constant 40 : i32
    %dma_wait3A_29 = tpu.memref_slice %arg3[%dma_wait3A_28, %mul3A_2] : memref<200x4096xi32, #tpu.memory_space<hbm>> -> memref<40x128xi32, #tpu.memory_space<hbm>>
    %dma_wait3A_30 = arith.constant 40 : i32
    %dma_wait3A_31 = tpu.memref_slice %arg3[%dma_wait3A_30, %mul3A_2] : memref<200x4096xi32, #tpu.memory_space<hbm>> -> memref<40x128xi32, #tpu.memory_space<hbm>>
    tpu.wait_dma2 semaphore(%arg13 : memref<!tpu.dma_semaphore, #tpu.memory_space<semaphore_mem>>) src(%dma_wait3A_31 : memref<40x128xi32, #tpu.memory_space<hbm>>) dst(%arg8 : memref<40x128xi32, #tpu.memory_space<vmem>>)
    %scan3A_32 = arith.constant 0 : i32
    %scan3A_33 = arith.constant 0 : i32
    %scan3A_34 = arith.constant 20 : i32
    %scan3A_35 = arith.addi %scan3A_33, %scan3A_34 : i32
    %scan3A_36 = arith.constant 1 : i32
    scf.for %scan3A_112 = %scan3A_33 to %scan3A_35 step %scan3A_36  : i32 {
      %mul3A_113 = arith.constant 2 : i32
      %mul3A_114 = arith.muli %scan3A_112, %mul3A_113 : i32
      %add3A_115 = arith.constant 0 : i32
      %add3A_116 = arith.addi %mul3A_114, %add3A_115 : i32
      %mul3A_117 = arith.constant 2 : i32
      %mul3A_118 = arith.muli %scan3A_112, %mul3A_117 : i32
      %add3A_119 = arith.constant 0 : i32
      %add3A_120 = arith.addi %mul3A_118, %add3A_119 : i32
      %mul3A_121 = arith.constant 2 : i32
      %mul3A_122 = arith.muli %scan3A_112, %mul3A_121 : i32
      %add3A_123 = arith.constant 0 : i32
      %add3A_124 = arith.addi %mul3A_122, %add3A_123 : i32
      %mul3A_125 = arith.constant 2 : i32
      %mul3A_126 = arith.muli %scan3A_112, %mul3A_125 : i32
      %add3A_127 = arith.constant 0 : i32
      %add3A_128 = arith.addi %mul3A_126, %add3A_127 : i32
      %mul3A_129 = arith.constant 2 : i32
      %mul3A_130 = arith.muli %scan3A_112, %mul3A_129 : i32
      %add3A_131 = arith.constant 0 : i32
      %add3A_132 = arith.addi %mul3A_130, %add3A_131 : i32
      %mul3A_133 = arith.constant 2 : i32
      %mul3A_134 = arith.muli %scan3A_112, %mul3A_133 : i32
      %add3A_135 = arith.constant 0 : i32
      %add3A_136 = arith.addi %mul3A_134, %add3A_135 : i32
      %mul3A_137 = arith.constant 2 : i32
      %mul3A_138 = arith.muli %scan3A_112, %mul3A_137 : i32
      %add3A_139 = arith.constant 0 : i32
      %add3A_140 = arith.addi %mul3A_138, %add3A_139 : i32
      %mul3A_141 = arith.constant 2 : i32
      %mul3A_142 = arith.muli %scan3A_112, %mul3A_141 : i32
      %add3A_143 = arith.constant 0 : i32
      %add3A_144 = arith.addi %mul3A_142, %add3A_143 : i32
      %mul3A_145 = arith.constant 2 : i32
      %mul3A_146 = arith.muli %scan3A_112, %mul3A_145 : i32
      %add3A_147 = arith.constant 1 : i32
      %add3A_148 = arith.addi %mul3A_146, %add3A_147 : i32
      %mul3A_149 = arith.constant 2 : i32
      %mul3A_150 = arith.muli %scan3A_112, %mul3A_149 : i32
      %add3A_151 = arith.constant 1 : i32
      %add3A_152 = arith.addi %mul3A_150, %add3A_151 : i32
      %mul3A_153 = arith.constant 2 : i32
      %mul3A_154 = arith.muli %scan3A_112, %mul3A_153 : i32
      %add3A_155 = arith.constant 1 : i32
      %add3A_156 = arith.addi %mul3A_154, %add3A_155 : i32
      %mul3A_157 = arith.constant 2 : i32
      %mul3A_158 = arith.muli %scan3A_112, %mul3A_157 : i32
      %add3A_159 = arith.constant 1 : i32
      %add3A_160 = arith.addi %mul3A_158, %add3A_159 : i32
      %mul3A_161 = arith.constant 2 : i32
      %mul3A_162 = arith.muli %scan3A_112, %mul3A_161 : i32
      %add3A_163 = arith.constant 1 : i32
      %add3A_164 = arith.addi %mul3A_162, %add3A_163 : i32
      %mul3A_165 = arith.constant 2 : i32
      %mul3A_166 = arith.muli %scan3A_112, %mul3A_165 : i32
      %add3A_167 = arith.constant 1 : i32
      %add3A_168 = arith.addi %mul3A_166, %add3A_167 : i32
      %mul3A_169 = arith.constant 2 : i32
      %mul3A_170 = arith.muli %scan3A_112, %mul3A_169 : i32
      %add3A_171 = arith.constant 1 : i32
      %add3A_172 = arith.addi %mul3A_170, %add3A_171 : i32
      %mul3A_173 = arith.constant 2 : i32
      %mul3A_174 = arith.muli %scan3A_112, %mul3A_173 : i32
      %add3A_175 = arith.constant 1 : i32
      %add3A_176 = arith.addi %mul3A_174, %add3A_175 : i32
      %get3A = arith.index_cast %add3A_116 : i32 to index
      %get3A_177 = arith.constant 0 : index
      %get3A_178 = tpu.vector_load %arg8[%get3A, %get3A_177] {strides = array<i32>} : memref<40x128xi32, #tpu.memory_space<vmem>>, vector<16xi32>,
      %get3A_179 = arith.index_cast %add3A_120 : i32 to index
      %get3A_180 = arith.constant 16 : index
      %get3A_181 = tpu.vector_load %arg8[%get3A_179, %get3A_180] {strides = array<i32>} : memref<40x128xi32, #tpu.memory_space<vmem>>, vector<16xi32>,
      %get3A_182 = arith.index_cast %add3A_124 : i32 to index
      %get3A_183 = arith.constant 32 : index
      %get3A_184 = tpu.vector_load %arg8[%get3A_182, %get3A_183] {strides = array<i32>} : memref<40x128xi32, #tpu.memory_space<vmem>>, vector<16xi32>,
      %get3A_185 = arith.index_cast %add3A_128 : i32 to index
      %get3A_186 = arith.constant 48 : index
      %get3A_187 = tpu.vector_load %arg8[%get3A_185, %get3A_186] {strides = array<i32>} : memref<40x128xi32, #tpu.memory_space<vmem>>, vector<16xi32>,
      %get3A_188 = arith.index_cast %add3A_132 : i32 to index
      %get3A_189 = arith.constant 64 : index
      %get3A_190 = tpu.vector_load %arg8[%get3A_188, %get3A_189] {strides = array<i32>} : memref<40x128xi32, #tpu.memory_space<vmem>>, vector<16xi32>,
      %get3A_191 = arith.index_cast %add3A_136 : i32 to index
      %get3A_192 = arith.constant 80 : index
      %get3A_193 = tpu.vector_load %arg8[%get3A_191, %get3A_192] {strides = array<i32>} : memref<40x128xi32, #tpu.memory_space<vmem>>, vector<16xi32>,
      %get3A_194 = arith.index_cast %add3A_140 : i32 to index
      %get3A_195 = arith.constant 96 : index
      %get3A_196 = tpu.vector_load %arg8[%get3A_194, %get3A_195] {strides = array<i32>} : memref<40x128xi32, #tpu.memory_space<vmem>>, vector<16xi32>,
      %get3A_197 = arith.index_cast %add3A_144 : i32 to index
      %get3A_198 = arith.constant 112 : index
      %get3A_199 = tpu.vector_load %arg8[%get3A_197, %get3A_198] {strides = array<i32>} : memref<40x128xi32, #tpu.memory_space<vmem>>, vector<16xi32>,
      %get3A_200 = arith.index_cast %add3A_148 : i32 to index
      %get3A_201 = arith.constant 0 : index
      %get3A_202 = tpu.vector_load %arg8[%get3A_200, %get3A_201] {strides = array<i32>} : memref<40x128xi32, #tpu.memory_space<vmem>>, vector<16xi32>,
      %get3A_203 = arith.index_cast %add3A_152 : i32 to index
      %get3A_204 = arith.constant 16 : index
      %get3A_205 = tpu.vector_load %arg8[%get3A_203, %get3A_204] {strides = array<i32>} : memref<40x128xi32, #tpu.memory_space<vmem>>, vector<16xi32>,
      %get3A_206 = arith.index_cast %add3A_156 : i32 to index
      %get3A_207 = arith.constant 32 : index
      %get3A_208 = tpu.vector_load %arg8[%get3A_206, %get3A_207] {strides = array<i32>} : memref<40x128xi32, #tpu.memory_space<vmem>>, vector<16xi32>,
      %get3A_209 = arith.index_cast %add3A_160 : i32 to index
      %get3A_210 = arith.constant 48 : index
      %get3A_211 = tpu.vector_load %arg8[%get3A_209, %get3A_210] {strides = array<i32>} : memref<40x128xi32, #tpu.memory_space<vmem>>, vector<16xi32>,
      %get3A_212 = arith.index_cast %add3A_164 : i32 to index
      %get3A_213 = arith.constant 64 : index
      %get3A_214 = tpu.vector_load %arg8[%get3A_212, %get3A_213] {strides = array<i32>} : memref<40x128xi32, #tpu.memory_space<vmem>>, vector<16xi32>,
      %get3A_215 = arith.index_cast %add3A_168 : i32 to index
      %get3A_216 = arith.constant 80 : index
      %get3A_217 = tpu.vector_load %arg8[%get3A_215, %get3A_216] {strides = array<i32>} : memref<40x128xi32, #tpu.memory_space<vmem>>, vector<16xi32>,
      %get3A_218 = arith.index_cast %add3A_172 : i32 to index
      %get3A_219 = arith.constant 96 : index
      %get3A_220 = tpu.vector_load %arg8[%get3A_218, %get3A_219] {strides = array<i32>} : memref<40x128xi32, #tpu.memory_space<vmem>>, vector<16xi32>,
      %get3A_221 = arith.index_cast %add3A_176 : i32 to index
      %get3A_222 = arith.constant 112 : index
      %get3A_223 = tpu.vector_load %arg8[%get3A_221, %get3A_222] {strides = array<i32>} : memref<40x128xi32, #tpu.memory_space<vmem>>, vector<16xi32>,
      %gather3A = tpu.vector_load_idx %arg6[%get3A_178] : memref<100000xf32, #tpu.memory_space<vmem>>[vector<16xi32>], vector<16xf32>,
      %gather3A_224 = tpu.vector_load_idx %arg6[%get3A_181] : memref<100000xf32, #tpu.memory_space<vmem>>[vector<16xi32>], vector<16xf32>,
      %gather3A_225 = tpu.vector_load_idx %arg6[%get3A_184] : memref<100000xf32, #tpu.memory_space<vmem>>[vector<16xi32>], vector<16xf32>,
      %gather3A_226 = tpu.vector_load_idx %arg6[%get3A_187] : memref<100000xf32, #tpu.memory_space<vmem>>[vector<16xi32>], vector<16xf32>,
      %gather3A_227 = tpu.vector_load_idx %arg6[%get3A_190] : memref<100000xf32, #tpu.memory_space<vmem>>[vector<16xi32>], vector<16xf32>,
      %gather3A_228 = tpu.vector_load_idx %arg6[%get3A_193] : memref<100000xf32, #tpu.memory_space<vmem>>[vector<16xi32>], vector<16xf32>,
      %gather3A_229 = tpu.vector_load_idx %arg6[%get3A_196] : memref<100000xf32, #tpu.memory_space<vmem>>[vector<16xi32>], vector<16xf32>,
      %gather3A_230 = tpu.vector_load_idx %arg6[%get3A_199] : memref<100000xf32, #tpu.memory_space<vmem>>[vector<16xi32>], vector<16xf32>,
      %gather3A_231 = tpu.vector_load_idx %arg6[%get3A_202] : memref<100000xf32, #tpu.memory_space<vmem>>[vector<16xi32>], vector<16xf32>,
      %gather3A_232 = tpu.vector_load_idx %arg6[%get3A_205] : memref<100000xf32, #tpu.memory_space<vmem>>[vector<16xi32>], vector<16xf32>,
      %gather3A_233 = tpu.vector_load_idx %arg6[%get3A_208] : memref<100000xf32, #tpu.memory_space<vmem>>[vector<16xi32>], vector<16xf32>,
      %gather3A_234 = tpu.vector_load_idx %arg6[%get3A_211] : memref<100000xf32, #tpu.memory_space<vmem>>[vector<16xi32>], vector<16xf32>,
      %gather3A_235 = tpu.vector_load_idx %arg6[%get3A_214] : memref<100000xf32, #tpu.memory_space<vmem>>[vector<16xi32>], vector<16xf32>,
      %gather3A_236 = tpu.vector_load_idx %arg6[%get3A_217] : memref<100000xf32, #tpu.memory_space<vmem>>[vector<16xi32>], vector<16xf32>,
      %gather3A_237 = tpu.vector_load_idx %arg6[%get3A_220] : memref<100000xf32, #tpu.memory_space<vmem>>[vector<16xi32>], vector<16xf32>,
      %gather3A_238 = tpu.vector_load_idx %arg6[%get3A_223] : memref<100000xf32, #tpu.memory_space<vmem>>[vector<16xi32>], vector<16xf32>,
      %swap3A = arith.index_cast %add3A_116 : i32 to index
      %swap3A_239 = arith.constant 0 : index
      %swap3A_240 = tpu.vector_load %arg10[%swap3A, %swap3A_239] {strides = array<i32>} : memref<40x128xf32, #tpu.memory_space<vmem>>, vector<16xf32>,
      tpu.vector_store %arg10[%swap3A, %swap3A_239], %gather3A {strides = array<i32>} : memref<40x128xf32, #tpu.memory_space<vmem>>, vector<16xf32>,
      %swap3A_241 = arith.index_cast %add3A_120 : i32 to index
      %swap3A_242 = arith.constant 16 : index
      %swap3A_243 = tpu.vector_load %arg10[%swap3A_241, %swap3A_242] {strides = array<i32>} : memref<40x128xf32, #tpu.memory_space<vmem>>, vector<16xf32>,
      tpu.vector_store %arg10[%swap3A_241, %swap3A_242], %gather3A_224 {strides = array<i32>} : memref<40x128xf32, #tpu.memory_space<vmem>>, vector<16xf32>,
      %swap3A_244 = arith.index_cast %add3A_124 : i32 to index
      %swap3A_245 = arith.constant 32 : index
      %swap3A_246 = tpu.vector_load %arg10[%swap3A_244, %swap3A_245] {strides = array<i32>} : memref<40x128xf32, #tpu.memory_space<vmem>>, vector<16xf32>,
      tpu.vector_store %arg10[%swap3A_244, %swap3A_245], %gather3A_225 {strides = array<i32>} : memref<40x128xf32, #tpu.memory_space<vmem>>, vector<16xf32>,
      %swap3A_247 = arith.index_cast %add3A_128 : i32 to index
      %swap3A_248 = arith.constant 48 : index
      %swap3A_249 = tpu.vector_load %arg10[%swap3A_247, %swap3A_248] {strides = array<i32>} : memref<40x128xf32, #tpu.memory_space<vmem>>, vector<16xf32>,
      tpu.vector_store %arg10[%swap3A_247, %swap3A_248], %gather3A_226 {strides = array<i32>} : memref<40x128xf32, #tpu.memory_space<vmem>>, vector<16xf32>,
      %swap3A_250 = arith.index_cast %add3A_132 : i32 to index
      %swap3A_251 = arith.constant 64 : index
      %swap3A_252 = tpu.vector_load %arg10[%swap3A_250, %swap3A_251] {strides = array<i32>} : memref<40x128xf32, #tpu.memory_space<vmem>>, vector<16xf32>,
      tpu.vector_store %arg10[%swap3A_250, %swap3A_251], %gather3A_227 {strides = array<i32>} : memref<40x128xf32, #tpu.memory_space<vmem>>, vector<16xf32>,
      %swap3A_253 = arith.index_cast %add3A_136 : i32 to index
      %swap3A_254 = arith.constant 80 : index
      %swap3A_255 = tpu.vector_load %arg10[%swap3A_253, %swap3A_254] {strides = array<i32>} : memref<40x128xf32, #tpu.memory_space<vmem>>, vector<16xf32>,
      tpu.vector_store %arg10[%swap3A_253, %swap3A_254], %gather3A_228 {strides = array<i32>} : memref<40x128xf32, #tpu.memory_space<vmem>>, vector<16xf32>,
      %swap3A_256 = arith.index_cast %add3A_140 : i32 to index
      %swap3A_257 = arith.constant 96 : index
      %swap3A_258 = tpu.vector_load %arg10[%swap3A_256, %swap3A_257] {strides = array<i32>} : memref<40x128xf32, #tpu.memory_space<vmem>>, vector<16xf32>,
      tpu.vector_store %arg10[%swap3A_256, %swap3A_257], %gather3A_229 {strides = array<i32>} : memref<40x128xf32, #tpu.memory_space<vmem>>, vector<16xf32>,
      %swap3A_259 = arith.index_cast %add3A_144 : i32 to index
      %swap3A_260 = arith.constant 112 : index
      %swap3A_261 = tpu.vector_load %arg10[%swap3A_259, %swap3A_260] {strides = array<i32>} : memref<40x128xf32, #tpu.memory_space<vmem>>, vector<16xf32>,
      tpu.vector_store %arg10[%swap3A_259, %swap3A_260], %gather3A_230 {strides = array<i32>} : memref<40x128xf32, #tpu.memory_space<vmem>>, vector<16xf32>,
      %swap3A_262 = arith.index_cast %add3A_148 : i32 to index
      %swap3A_263 = arith.constant 0 : index
      %swap3A_264 = tpu.vector_load %arg10[%swap3A_262, %swap3A_263] {strides = array<i32>} : memref<40x128xf32, #tpu.memory_space<vmem>>, vector<16xf32>,
      tpu.vector_store %arg10[%swap3A_262, %swap3A_263], %gather3A_231 {strides = array<i32>} : memref<40x128xf32, #tpu.memory_space<vmem>>, vector<16xf32>,
      %swap3A_265 = arith.index_cast %add3A_152 : i32 to index
      %swap3A_266 = arith.constant 16 : index
      %swap3A_267 = tpu.vector_load %arg10[%swap3A_265, %swap3A_266] {strides = array<i32>} : memref<40x128xf32, #tpu.memory_space<vmem>>, vector<16xf32>,
      tpu.vector_store %arg10[%swap3A_265, %swap3A_266], %gather3A_232 {strides = array<i32>} : memref<40x128xf32, #tpu.memory_space<vmem>>, vector<16xf32>,
      %swap3A_268 = arith.index_cast %add3A_156 : i32 to index
      %swap3A_269 = arith.constant 32 : index
      %swap3A_270 = tpu.vector_load %arg10[%swap3A_268, %swap3A_269] {strides = array<i32>} : memref<40x128xf32, #tpu.memory_space<vmem>>, vector<16xf32>,
      tpu.vector_store %arg10[%swap3A_268, %swap3A_269], %gather3A_233 {strides = array<i32>} : memref<40x128xf32, #tpu.memory_space<vmem>>, vector<16xf32>,
      %swap3A_271 = arith.index_cast %add3A_160 : i32 to index
      %swap3A_272 = arith.constant 48 : index
      %swap3A_273 = tpu.vector_load %arg10[%swap3A_271, %swap3A_272] {strides = array<i32>} : memref<40x128xf32, #tpu.memory_space<vmem>>, vector<16xf32>,
      tpu.vector_store %arg10[%swap3A_271, %swap3A_272], %gather3A_234 {strides = array<i32>} : memref<40x128xf32, #tpu.memory_space<vmem>>, vector<16xf32>,
      %swap3A_274 = arith.index_cast %add3A_164 : i32 to index
      %swap3A_275 = arith.constant 64 : index
      %swap3A_276 = tpu.vector_load %arg10[%swap3A_274, %swap3A_275] {strides = array<i32>} : memref<40x128xf32, #tpu.memory_space<vmem>>, vector<16xf32>,
      tpu.vector_store %arg10[%swap3A_274, %swap3A_275], %gather3A_235 {strides = array<i32>} : memref<40x128xf32, #tpu.memory_space<vmem>>, vector<16xf32>,
      %swap3A_277 = arith.index_cast %add3A_168 : i32 to index
      %swap3A_278 = arith.constant 80 : index
      %swap3A_279 = tpu.vector_load %arg10[%swap3A_277, %swap3A_278] {strides = array<i32>} : memref<40x128xf32, #tpu.memory_space<vmem>>, vector<16xf32>,
      tpu.vector_store %arg10[%swap3A_277, %swap3A_278], %gather3A_236 {strides = array<i32>} : memref<40x128xf32, #tpu.memory_space<vmem>>, vector<16xf32>,
      %swap3A_280 = arith.index_cast %add3A_172 : i32 to index
      %swap3A_281 = arith.constant 96 : index
      %swap3A_282 = tpu.vector_load %arg10[%swap3A_280, %swap3A_281] {strides = array<i32>} : memref<40x128xf32, #tpu.memory_space<vmem>>, vector<16xf32>,
      tpu.vector_store %arg10[%swap3A_280, %swap3A_281], %gather3A_237 {strides = array<i32>} : memref<40x128xf32, #tpu.memory_space<vmem>>, vector<16xf32>,
      %swap3A_283 = arith.index_cast %add3A_176 : i32 to index
      %swap3A_284 = arith.constant 112 : index
      %swap3A_285 = tpu.vector_load %arg10[%swap3A_283, %swap3A_284] {strides = array<i32>} : memref<40x128xf32, #tpu.memory_space<vmem>>, vector<16xf32>,
      tpu.vector_store %arg10[%swap3A_283, %swap3A_284], %gather3A_238 {strides = array<i32>} : memref<40x128xf32, #tpu.memory_space<vmem>>, vector<16xf32>,
    }
    %scan3A_37 = arith.constant 20 : i32
    %dma_start3A_38 = arith.constant 40 : i32
    %dma_start3A_39 = tpu.memref_slice %arg4[%dma_start3A_38, %mul3A_2] : memref<200x4096xf32, #tpu.memory_space<hbm>> -> memref<40x128xf32, #tpu.memory_space<hbm>>
    %dma_start3A_40 = arith.constant 40 : i32
    %dma_start3A_41 = tpu.memref_slice %arg4[%dma_start3A_40, %mul3A_2] : memref<200x4096xf32, #tpu.memory_space<hbm>> -> memref<40x128xf32, #tpu.memory_space<hbm>>
    tpu.enqueue_dma source(%arg10 : memref<40x128xf32, #tpu.memory_space<vmem>>) target(%dma_start3A_41 : memref<40x128xf32, #tpu.memory_space<hbm>>) target_semaphore(%arg15 : memref<!tpu.dma_semaphore, #tpu.memory_space<semaphore_mem>>)
    %dma_start3A_42 = arith.constant 120 : i32
    %dma_start3A_43 = tpu.memref_slice %arg3[%dma_start3A_42, %mul3A_2] : memref<200x4096xi32, #tpu.memory_space<hbm>> -> memref<40x128xi32, #tpu.memory_space<hbm>>
    %dma_start3A_44 = arith.constant 120 : i32
    %dma_start3A_45 = tpu.memref_slice %arg3[%dma_start3A_44, %mul3A_2] : memref<200x4096xi32, #tpu.memory_space<hbm>> -> memref<40x128xi32, #tpu.memory_space<hbm>>
    tpu.enqueue_dma source(%dma_start3A_45 : memref<40x128xi32, #tpu.memory_space<hbm>>) target(%arg8 : memref<40x128xi32, #tpu.memory_space<vmem>>) target_semaphore(%arg13 : memref<!tpu.dma_semaphore, #tpu.memory_space<semaphore_mem>>)
    %dma_wait3A_46 = arith.constant 80 : i32
    %dma_wait3A_47 = tpu.memref_slice %arg3[%dma_wait3A_46, %mul3A_2] : memref<200x4096xi32, #tpu.memory_space<hbm>> -> memref<40x128xi32, #tpu.memory_space<hbm>>
    %dma_wait3A_48 = arith.constant 80 : i32
    %dma_wait3A_49 = tpu.memref_slice %arg3[%dma_wait3A_48, %mul3A_2] : memref<200x4096xi32, #tpu.memory_space<hbm>> -> memref<40x128xi32, #tpu.memory_space<hbm>>
    tpu.wait_dma2 semaphore(%arg12 : memref<!tpu.dma_semaphore, #tpu.memory_space<semaphore_mem>>) src(%dma_wait3A_49 : memref<40x128xi32, #tpu.memory_space<hbm>>) dst(%arg7 : memref<40x128xi32, #tpu.memory_space<vmem>>)
    %dma_wait3A_50 = arith.constant 0 : i32
    %dma_wait3A_51 = tpu.memref_slice %arg4[%dma_wait3A_50, %mul3A_2] : memref<200x4096xf32, #tpu.memory_space<hbm>> -> memref<40x128xf32, #tpu.memory_space<hbm>>
    %dma_wait3A_52 = arith.constant 0 : i32
    %dma_wait3A_53 = tpu.memref_slice %arg4[%dma_wait3A_52, %mul3A_2] : memref<200x4096xf32, #tpu.memory_space<hbm>> -> memref<40x128xf32, #tpu.memory_space<hbm>>
    tpu.wait_dma2 semaphore(%arg14 : memref<!tpu.dma_semaphore, #tpu.memory_space<semaphore_mem>>) src(%arg9 : memref<40x128xf32, #tpu.memory_space<vmem>>) dst(%dma_wait3A_53 : memref<40x128xf32, #tpu.memory_space<hbm>>)
    %scan3A_54 = arith.constant 0 : i32
    %scan3A_55 = arith.constant 0 : i32
    %scan3A_56 = arith.constant 20 : i32
    %scan3A_57 = arith.addi %scan3A_55, %scan3A_56 : i32
    %scan3A_58 = arith.constant 1 : i32
    scf.for %scan3A_112 = %scan3A_55 to %scan3A_57 step %scan3A_58  : i32 {
      %mul3A_113 = arith.constant 2 : i32
      %mul3A_114 = arith.muli %scan3A_112, %mul3A_113 : i32
      %add3A_115 = arith.constant 0 : i32
      %add3A_116 = arith.addi %mul3A_114, %add3A_115 : i32
      %mul3A_117 = arith.constant 2 : i32
      %mul3A_118 = arith.muli %scan3A_112, %mul3A_117 : i32
      %add3A_119 = arith.constant 0 : i32
      %add3A_120 = arith.addi %mul3A_118, %add3A_119 : i32
      %mul3A_121 = arith.constant 2 : i32
      %mul3A_122 = arith.muli %scan3A_112, %mul3A_121 : i32
      %add3A_123 = arith.constant 0 : i32
      %add3A_124 = arith.addi %mul3A_122, %add3A_123 : i32
      %mul3A_125 = arith.constant 2 : i32
      %mul3A_126 = arith.muli %scan3A_112, %mul3A_125 : i32
      %add3A_127 = arith.constant 0 : i32
      %add3A_128 = arith.addi %mul3A_126, %add3A_127 : i32
      %mul3A_129 = arith.constant 2 : i32
      %mul3A_130 = arith.muli %scan3A_112, %mul3A_129 : i32
      %add3A_131 = arith.constant 0 : i32
      %add3A_132 = arith.addi %mul3A_130, %add3A_131 : i32
      %mul3A_133 = arith.constant 2 : i32
      %mul3A_134 = arith.muli %scan3A_112, %mul3A_133 : i32
      %add3A_135 = arith.constant 0 : i32
      %add3A_136 = arith.addi %mul3A_134, %add3A_135 : i32
      %mul3A_137 = arith.constant 2 : i32
      %mul3A_138 = arith.muli %scan3A_112, %mul3A_137 : i32
      %add3A_139 = arith.constant 0 : i32
      %add3A_140 = arith.addi %mul3A_138, %add3A_139 : i32
      %mul3A_141 = arith.constant 2 : i32
      %mul3A_142 = arith.muli %scan3A_112, %mul3A_141 : i32
      %add3A_143 = arith.constant 0 : i32
      %add3A_144 = arith.addi %mul3A_142, %add3A_143 : i32
      %mul3A_145 = arith.constant 2 : i32
      %mul3A_146 = arith.muli %scan3A_112, %mul3A_145 : i32
      %add3A_147 = arith.constant 1 : i32
      %add3A_148 = arith.addi %mul3A_146, %add3A_147 : i32
      %mul3A_149 = arith.constant 2 : i32
      %mul3A_150 = arith.muli %scan3A_112, %mul3A_149 : i32
      %add3A_151 = arith.constant 1 : i32
      %add3A_152 = arith.addi %mul3A_150, %add3A_151 : i32
      %mul3A_153 = arith.constant 2 : i32
      %mul3A_154 = arith.muli %scan3A_112, %mul3A_153 : i32
      %add3A_155 = arith.constant 1 : i32
      %add3A_156 = arith.addi %mul3A_154, %add3A_155 : i32
      %mul3A_157 = arith.constant 2 : i32
      %mul3A_158 = arith.muli %scan3A_112, %mul3A_157 : i32
      %add3A_159 = arith.constant 1 : i32
      %add3A_160 = arith.addi %mul3A_158, %add3A_159 : i32
      %mul3A_161 = arith.constant 2 : i32
      %mul3A_162 = arith.muli %scan3A_112, %mul3A_161 : i32
      %add3A_163 = arith.constant 1 : i32
      %add3A_164 = arith.addi %mul3A_162, %add3A_163 : i32
      %mul3A_165 = arith.constant 2 : i32
      %mul3A_166 = arith.muli %scan3A_112, %mul3A_165 : i32
      %add3A_167 = arith.constant 1 : i32
      %add3A_168 = arith.addi %mul3A_166, %add3A_167 : i32
      %mul3A_169 = arith.constant 2 : i32
      %mul3A_170 = arith.muli %scan3A_112, %mul3A_169 : i32
      %add3A_171 = arith.constant 1 : i32
      %add3A_172 = arith.addi %mul3A_170, %add3A_171 : i32
      %mul3A_173 = arith.constant 2 : i32
      %mul3A_174 = arith.muli %scan3A_112, %mul3A_173 : i32
      %add3A_175 = arith.constant 1 : i32
      %add3A_176 = arith.addi %mul3A_174, %add3A_175 : i32
      %get3A = arith.index_cast %add3A_116 : i32 to index
      %get3A_177 = arith.constant 0 : index
      %get3A_178 = tpu.vector_load %arg7[%get3A, %get3A_177] {strides = array<i32>} : memref<40x128xi32, #tpu.memory_space<vmem>>, vector<16xi32>,
      %get3A_179 = arith.index_cast %add3A_120 : i32 to index
      %get3A_180 = arith.constant 16 : index
      %get3A_181 = tpu.vector_load %arg7[%get3A_179, %get3A_180] {strides = array<i32>} : memref<40x128xi32, #tpu.memory_space<vmem>>, vector<16xi32>,
      %get3A_182 = arith.index_cast %add3A_124 : i32 to index
      %get3A_183 = arith.constant 32 : index
      %get3A_184 = tpu.vector_load %arg7[%get3A_182, %get3A_183] {strides = array<i32>} : memref<40x128xi32, #tpu.memory_space<vmem>>, vector<16xi32>,
      %get3A_185 = arith.index_cast %add3A_128 : i32 to index
      %get3A_186 = arith.constant 48 : index
      %get3A_187 = tpu.vector_load %arg7[%get3A_185, %get3A_186] {strides = array<i32>} : memref<40x128xi32, #tpu.memory_space<vmem>>, vector<16xi32>,
      %get3A_188 = arith.index_cast %add3A_132 : i32 to index
      %get3A_189 = arith.constant 64 : index
      %get3A_190 = tpu.vector_load %arg7[%get3A_188, %get3A_189] {strides = array<i32>} : memref<40x128xi32, #tpu.memory_space<vmem>>, vector<16xi32>,
      %get3A_191 = arith.index_cast %add3A_136 : i32 to index
      %get3A_192 = arith.constant 80 : index
      %get3A_193 = tpu.vector_load %arg7[%get3A_191, %get3A_192] {strides = array<i32>} : memref<40x128xi32, #tpu.memory_space<vmem>>, vector<16xi32>,
      %get3A_194 = arith.index_cast %add3A_140 : i32 to index
      %get3A_195 = arith.constant 96 : index
      %get3A_196 = tpu.vector_load %arg7[%get3A_194, %get3A_195] {strides = array<i32>} : memref<40x128xi32, #tpu.memory_space<vmem>>, vector<16xi32>,
      %get3A_197 = arith.index_cast %add3A_144 : i32 to index
      %get3A_198 = arith.constant 112 : index
      %get3A_199 = tpu.vector_load %arg7[%get3A_197, %get3A_198] {strides = array<i32>} : memref<40x128xi32, #tpu.memory_space<vmem>>, vector<16xi32>,
      %get3A_200 = arith.index_cast %add3A_148 : i32 to index
      %get3A_201 = arith.constant 0 : index
      %get3A_202 = tpu.vector_load %arg7[%get3A_200, %get3A_201] {strides = array<i32>} : memref<40x128xi32, #tpu.memory_space<vmem>>, vector<16xi32>,
      %get3A_203 = arith.index_cast %add3A_152 : i32 to index
      %get3A_204 = arith.constant 16 : index
      %get3A_205 = tpu.vector_load %arg7[%get3A_203, %get3A_204] {strides = array<i32>} : memref<40x128xi32, #tpu.memory_space<vmem>>, vector<16xi32>,
      %get3A_206 = arith.index_cast %add3A_156 : i32 to index
      %get3A_207 = arith.constant 32 : index
      %get3A_208 = tpu.vector_load %arg7[%get3A_206, %get3A_207] {strides = array<i32>} : memref<40x128xi32, #tpu.memory_space<vmem>>, vector<16xi32>,
      %get3A_209 = arith.index_cast %add3A_160 : i32 to index
      %get3A_210 = arith.constant 48 : index
      %get3A_211 = tpu.vector_load %arg7[%get3A_209, %get3A_210] {strides = array<i32>} : memref<40x128xi32, #tpu.memory_space<vmem>>, vector<16xi32>,
      %get3A_212 = arith.index_cast %add3A_164 : i32 to index
      %get3A_213 = arith.constant 64 : index
      %get3A_214 = tpu.vector_load %arg7[%get3A_212, %get3A_213] {strides = array<i32>} : memref<40x128xi32, #tpu.memory_space<vmem>>, vector<16xi32>,
      %get3A_215 = arith.index_cast %add3A_168 : i32 to index
      %get3A_216 = arith.constant 80 : index
      %get3A_217 = tpu.vector_load %arg7[%get3A_215, %get3A_216] {strides = array<i32>} : memref<40x128xi32, #tpu.memory_space<vmem>>, vector<16xi32>,
      %get3A_218 = arith.index_cast %add3A_172 : i32 to index
      %get3A_219 = arith.constant 96 : index
      %get3A_220 = tpu.vector_load %arg7[%get3A_218, %get3A_219] {strides = array<i32>} : memref<40x128xi32, #tpu.memory_space<vmem>>, vector<16xi32>,
      %get3A_221 = arith.index_cast %add3A_176 : i32 to index
      %get3A_222 = arith.constant 112 : index
      %get3A_223 = tpu.vector_load %arg7[%get3A_221, %get3A_222] {strides = array<i32>} : memref<40x128xi32, #tpu.memory_space<vmem>>, vector<16xi32>,
      %gather3A = tpu.vector_load_idx %arg6[%get3A_178] : memref<100000xf32, #tpu.memory_space<vmem>>[vector<16xi32>], vector<16xf32>,
      %gather3A_224 = tpu.vector_load_idx %arg6[%get3A_181] : memref<100000xf32, #tpu.memory_space<vmem>>[vector<16xi32>], vector<16xf32>,
      %gather3A_225 = tpu.vector_load_idx %arg6[%get3A_184] : memref<100000xf32, #tpu.memory_space<vmem>>[vector<16xi32>], vector<16xf32>,
      %gather3A_226 = tpu.vector_load_idx %arg6[%get3A_187] : memref<100000xf32, #tpu.memory_space<vmem>>[vector<16xi32>], vector<16xf32>,
      %gather3A_227 = tpu.vector_load_idx %arg6[%get3A_190] : memref<100000xf32, #tpu.memory_space<vmem>>[vector<16xi32>], vector<16xf32>,
      %gather3A_228 = tpu.vector_load_idx %arg6[%get3A_193] : memref<100000xf32, #tpu.memory_space<vmem>>[vector<16xi32>], vector<16xf32>,
      %gather3A_229 = tpu.vector_load_idx %arg6[%get3A_196] : memref<100000xf32, #tpu.memory_space<vmem>>[vector<16xi32>], vector<16xf32>,
      %gather3A_230 = tpu.vector_load_idx %arg6[%get3A_199] : memref<100000xf32, #tpu.memory_space<vmem>>[vector<16xi32>], vector<16xf32>,
      %gather3A_231 = tpu.vector_load_idx %arg6[%get3A_202] : memref<100000xf32, #tpu.memory_space<vmem>>[vector<16xi32>], vector<16xf32>,
      %gather3A_232 = tpu.vector_load_idx %arg6[%get3A_205] : memref<100000xf32, #tpu.memory_space<vmem>>[vector<16xi32>], vector<16xf32>,
      %gather3A_233 = tpu.vector_load_idx %arg6[%get3A_208] : memref<100000xf32, #tpu.memory_space<vmem>>[vector<16xi32>], vector<16xf32>,
      %gather3A_234 = tpu.vector_load_idx %arg6[%get3A_211] : memref<100000xf32, #tpu.memory_space<vmem>>[vector<16xi32>], vector<16xf32>,
      %gather3A_235 = tpu.vector_load_idx %arg6[%get3A_214] : memref<100000xf32, #tpu.memory_space<vmem>>[vector<16xi32>], vector<16xf32>,
      %gather3A_236 = tpu.vector_load_idx %arg6[%get3A_217] : memref<100000xf32, #tpu.memory_space<vmem>>[vector<16xi32>], vector<16xf32>,
      %gather3A_237 = tpu.vector_load_idx %arg6[%get3A_220] : memref<100000xf32, #tpu.memory_space<vmem>>[vector<16xi32>], vector<16xf32>,
      %gather3A_238 = tpu.vector_load_idx %arg6[%get3A_223] : memref<100000xf32, #tpu.memory_space<vmem>>[vector<16xi32>], vector<16xf32>,
      %swap3A = arith.index_cast %add3A_116 : i32 to index
      %swap3A_239 = arith.constant 0 : index
      %swap3A_240 = tpu.vector_load %arg9[%swap3A, %swap3A_239] {strides = array<i32>} : memref<40x128xf32, #tpu.memory_space<vmem>>, vector<16xf32>,
      tpu.vector_store %arg9[%swap3A, %swap3A_239], %gather3A {strides = array<i32>} : memref<40x128xf32, #tpu.memory_space<vmem>>, vector<16xf32>,
      %swap3A_241 = arith.index_cast %add3A_120 : i32 to index
      %swap3A_242 = arith.constant 16 : index
      %swap3A_243 = tpu.vector_load %arg9[%swap3A_241, %swap3A_242] {strides = array<i32>} : memref<40x128xf32, #tpu.memory_space<vmem>>, vector<16xf32>,
      tpu.vector_store %arg9[%swap3A_241, %swap3A_242], %gather3A_224 {strides = array<i32>} : memref<40x128xf32, #tpu.memory_space<vmem>>, vector<16xf32>,
      %swap3A_244 = arith.index_cast %add3A_124 : i32 to index
      %swap3A_245 = arith.constant 32 : index
      %swap3A_246 = tpu.vector_load %arg9[%swap3A_244, %swap3A_245] {strides = array<i32>} : memref<40x128xf32, #tpu.memory_space<vmem>>, vector<16xf32>,
      tpu.vector_store %arg9[%swap3A_244, %swap3A_245], %gather3A_225 {strides = array<i32>} : memref<40x128xf32, #tpu.memory_space<vmem>>, vector<16xf32>,
      %swap3A_247 = arith.index_cast %add3A_128 : i32 to index
      %swap3A_248 = arith.constant 48 : index
      %swap3A_249 = tpu.vector_load %arg9[%swap3A_247, %swap3A_248] {strides = array<i32>} : memref<40x128xf32, #tpu.memory_space<vmem>>, vector<16xf32>,
      tpu.vector_store %arg9[%swap3A_247, %swap3A_248], %gather3A_226 {strides = array<i32>} : memref<40x128xf32, #tpu.memory_space<vmem>>, vector<16xf32>,
      %swap3A_250 = arith.index_cast %add3A_132 : i32 to index
      %swap3A_251 = arith.constant 64 : index
      %swap3A_252 = tpu.vector_load %arg9[%swap3A_250, %swap3A_251] {strides = array<i32>} : memref<40x128xf32, #tpu.memory_space<vmem>>, vector<16xf32>,
      tpu.vector_store %arg9[%swap3A_250, %swap3A_251], %gather3A_227 {strides = array<i32>} : memref<40x128xf32, #tpu.memory_space<vmem>>, vector<16xf32>,
      %swap3A_253 = arith.index_cast %add3A_136 : i32 to index
      %swap3A_254 = arith.constant 80 : index
      %swap3A_255 = tpu.vector_load %arg9[%swap3A_253, %swap3A_254] {strides = array<i32>} : memref<40x128xf32, #tpu.memory_space<vmem>>, vector<16xf32>,
      tpu.vector_store %arg9[%swap3A_253, %swap3A_254], %gather3A_228 {strides = array<i32>} : memref<40x128xf32, #tpu.memory_space<vmem>>, vector<16xf32>,
      %swap3A_256 = arith.index_cast %add3A_140 : i32 to index
      %swap3A_257 = arith.constant 96 : index
      %swap3A_258 = tpu.vector_load %arg9[%swap3A_256, %swap3A_257] {strides = array<i32>} : memref<40x128xf32, #tpu.memory_space<vmem>>, vector<16xf32>,
      tpu.vector_store %arg9[%swap3A_256, %swap3A_257], %gather3A_229 {strides = array<i32>} : memref<40x128xf32, #tpu.memory_space<vmem>>, vector<16xf32>,
      %swap3A_259 = arith.index_cast %add3A_144 : i32 to index
      %swap3A_260 = arith.constant 112 : index
      %swap3A_261 = tpu.vector_load %arg9[%swap3A_259, %swap3A_260] {strides = array<i32>} : memref<40x128xf32, #tpu.memory_space<vmem>>, vector<16xf32>,
      tpu.vector_store %arg9[%swap3A_259, %swap3A_260], %gather3A_230 {strides = array<i32>} : memref<40x128xf32, #tpu.memory_space<vmem>>, vector<16xf32>,
      %swap3A_262 = arith.index_cast %add3A_148 : i32 to index
      %swap3A_263 = arith.constant 0 : index
      %swap3A_264 = tpu.vector_load %arg9[%swap3A_262, %swap3A_263] {strides = array<i32>} : memref<40x128xf32, #tpu.memory_space<vmem>>, vector<16xf32>,
      tpu.vector_store %arg9[%swap3A_262, %swap3A_263], %gather3A_231 {strides = array<i32>} : memref<40x128xf32, #tpu.memory_space<vmem>>, vector<16xf32>,
      %swap3A_265 = arith.index_cast %add3A_152 : i32 to index
      %swap3A_266 = arith.constant 16 : index
      %swap3A_267 = tpu.vector_load %arg9[%swap3A_265, %swap3A_266] {strides = array<i32>} : memref<40x128xf32, #tpu.memory_space<vmem>>, vector<16xf32>,
      tpu.vector_store %arg9[%swap3A_265, %swap3A_266], %gather3A_232 {strides = array<i32>} : memref<40x128xf32, #tpu.memory_space<vmem>>, vector<16xf32>,
      %swap3A_268 = arith.index_cast %add3A_156 : i32 to index
      %swap3A_269 = arith.constant 32 : index
      %swap3A_270 = tpu.vector_load %arg9[%swap3A_268, %swap3A_269] {strides = array<i32>} : memref<40x128xf32, #tpu.memory_space<vmem>>, vector<16xf32>,
      tpu.vector_store %arg9[%swap3A_268, %swap3A_269], %gather3A_233 {strides = array<i32>} : memref<40x128xf32, #tpu.memory_space<vmem>>, vector<16xf32>,
      %swap3A_271 = arith.index_cast %add3A_160 : i32 to index
      %swap3A_272 = arith.constant 48 : index
      %swap3A_273 = tpu.vector_load %arg9[%swap3A_271, %swap3A_272] {strides = array<i32>} : memref<40x128xf32, #tpu.memory_space<vmem>>, vector<16xf32>,
      tpu.vector_store %arg9[%swap3A_271, %swap3A_272], %gather3A_234 {strides = array<i32>} : memref<40x128xf32, #tpu.memory_space<vmem>>, vector<16xf32>,
      %swap3A_274 = arith.index_cast %add3A_164 : i32 to index
      %swap3A_275 = arith.constant 64 : index
      %swap3A_276 = tpu.vector_load %arg9[%swap3A_274, %swap3A_275] {strides = array<i32>} : memref<40x128xf32, #tpu.memory_space<vmem>>, vector<16xf32>,
      tpu.vector_store %arg9[%swap3A_274, %swap3A_275], %gather3A_235 {strides = array<i32>} : memref<40x128xf32, #tpu.memory_space<vmem>>, vector<16xf32>,
      %swap3A_277 = arith.index_cast %add3A_168 : i32 to index
      %swap3A_278 = arith.constant 80 : index
      %swap3A_279 = tpu.vector_load %arg9[%swap3A_277, %swap3A_278] {strides = array<i32>} : memref<40x128xf32, #tpu.memory_space<vmem>>, vector<16xf32>,
      tpu.vector_store %arg9[%swap3A_277, %swap3A_278], %gather3A_236 {strides = array<i32>} : memref<40x128xf32, #tpu.memory_space<vmem>>, vector<16xf32>,
      %swap3A_280 = arith.index_cast %add3A_172 : i32 to index
      %swap3A_281 = arith.constant 96 : index
      %swap3A_282 = tpu.vector_load %arg9[%swap3A_280, %swap3A_281] {strides = array<i32>} : memref<40x128xf32, #tpu.memory_space<vmem>>, vector<16xf32>,
      tpu.vector_store %arg9[%swap3A_280, %swap3A_281], %gather3A_237 {strides = array<i32>} : memref<40x128xf32, #tpu.memory_space<vmem>>, vector<16xf32>,
      %swap3A_283 = arith.index_cast %add3A_176 : i32 to index
      %swap3A_284 = arith.constant 112 : index
      %swap3A_285 = tpu.vector_load %arg9[%swap3A_283, %swap3A_284] {strides = array<i32>} : memref<40x128xf32, #tpu.memory_space<vmem>>, vector<16xf32>,
      tpu.vector_store %arg9[%swap3A_283, %swap3A_284], %gather3A_238 {strides = array<i32>} : memref<40x128xf32, #tpu.memory_space<vmem>>, vector<16xf32>,
    }
    %scan3A_59 = arith.constant 20 : i32
    %dma_start3A_60 = arith.constant 80 : i32
    %dma_start3A_61 = tpu.memref_slice %arg4[%dma_start3A_60, %mul3A_2] : memref<200x4096xf32, #tpu.memory_space<hbm>> -> memref<40x128xf32, #tpu.memory_space<hbm>>
    %dma_start3A_62 = arith.constant 80 : i32
    %dma_start3A_63 = tpu.memref_slice %arg4[%dma_start3A_62, %mul3A_2] : memref<200x4096xf32, #tpu.memory_space<hbm>> -> memref<40x128xf32, #tpu.memory_space<hbm>>
    tpu.enqueue_dma source(%arg9 : memref<40x128xf32, #tpu.memory_space<vmem>>) target(%dma_start3A_63 : memref<40x128xf32, #tpu.memory_space<hbm>>) target_semaphore(%arg14 : memref<!tpu.dma_semaphore, #tpu.memory_space<semaphore_mem>>)
    %dma_start3A_64 = arith.constant 160 : i32
    %dma_start3A_65 = tpu.memref_slice %arg3[%dma_start3A_64, %mul3A_2] : memref<200x4096xi32, #tpu.memory_space<hbm>> -> memref<40x128xi32, #tpu.memory_space<hbm>>
    %dma_start3A_66 = arith.constant 160 : i32
    %dma_start3A_67 = tpu.memref_slice %arg3[%dma_start3A_66, %mul3A_2] : memref<200x4096xi32, #tpu.memory_space<hbm>> -> memref<40x128xi32, #tpu.memory_space<hbm>>
    tpu.enqueue_dma source(%dma_start3A_67 : memref<40x128xi32, #tpu.memory_space<hbm>>) target(%arg7 : memref<40x128xi32, #tpu.memory_space<vmem>>) target_semaphore(%arg12 : memref<!tpu.dma_semaphore, #tpu.memory_space<semaphore_mem>>)
    %dma_wait3A_68 = arith.constant 120 : i32
    %dma_wait3A_69 = tpu.memref_slice %arg3[%dma_wait3A_68, %mul3A_2] : memref<200x4096xi32, #tpu.memory_space<hbm>> -> memref<40x128xi32, #tpu.memory_space<hbm>>
    %dma_wait3A_70 = arith.constant 120 : i32
    %dma_wait3A_71 = tpu.memref_slice %arg3[%dma_wait3A_70, %mul3A_2] : memref<200x4096xi32, #tpu.memory_space<hbm>> -> memref<40x128xi32, #tpu.memory_space<hbm>>
    tpu.wait_dma2 semaphore(%arg13 : memref<!tpu.dma_semaphore, #tpu.memory_space<semaphore_mem>>) src(%dma_wait3A_71 : memref<40x128xi32, #tpu.memory_space<hbm>>) dst(%arg8 : memref<40x128xi32, #tpu.memory_space<vmem>>)
    %dma_wait3A_72 = arith.constant 40 : i32
    %dma_wait3A_73 = tpu.memref_slice %arg4[%dma_wait3A_72, %mul3A_2] : memref<200x4096xf32, #tpu.memory_space<hbm>> -> memref<40x128xf32, #tpu.memory_space<hbm>>
    %dma_wait3A_74 = arith.constant 40 : i32
    %dma_wait3A_75 = tpu.memref_slice %arg4[%dma_wait3A_74, %mul3A_2] : memref<200x4096xf32, #tpu.memory_space<hbm>> -> memref<40x128xf32, #tpu.memory_space<hbm>>
    tpu.wait_dma2 semaphore(%arg15 : memref<!tpu.dma_semaphore, #tpu.memory_space<semaphore_mem>>) src(%arg10 : memref<40x128xf32, #tpu.memory_space<vmem>>) dst(%dma_wait3A_75 : memref<40x128xf32, #tpu.memory_space<hbm>>)
    %scan3A_76 = arith.constant 0 : i32
    %scan3A_77 = arith.constant 0 : i32
    %scan3A_78 = arith.constant 20 : i32
    %scan3A_79 = arith.addi %scan3A_77, %scan3A_78 : i32
    %scan3A_80 = arith.constant 1 : i32
    scf.for %scan3A_112 = %scan3A_77 to %scan3A_79 step %scan3A_80  : i32 {
      %mul3A_113 = arith.constant 2 : i32
      %mul3A_114 = arith.muli %scan3A_112, %mul3A_113 : i32
      %add3A_115 = arith.constant 0 : i32
      %add3A_116 = arith.addi %mul3A_114, %add3A_115 : i32
      %mul3A_117 = arith.constant 2 : i32
      %mul3A_118 = arith.muli %scan3A_112, %mul3A_117 : i32
      %add3A_119 = arith.constant 0 : i32
      %add3A_120 = arith.addi %mul3A_118, %add3A_119 : i32
      %mul3A_121 = arith.constant 2 : i32
      %mul3A_122 = arith.muli %scan3A_112, %mul3A_121 : i32
      %add3A_123 = arith.constant 0 : i32
      %add3A_124 = arith.addi %mul3A_122, %add3A_123 : i32
      %mul3A_125 = arith.constant 2 : i32
      %mul3A_126 = arith.muli %scan3A_112, %mul3A_125 : i32
      %add3A_127 = arith.constant 0 : i32
      %add3A_128 = arith.addi %mul3A_126, %add3A_127 : i32
      %mul3A_129 = arith.constant 2 : i32
      %mul3A_130 = arith.muli %scan3A_112, %mul3A_129 : i32
      %add3A_131 = arith.constant 0 : i32
      %add3A_132 = arith.addi %mul3A_130, %add3A_131 : i32
      %mul3A_133 = arith.constant 2 : i32
      %mul3A_134 = arith.muli %scan3A_112, %mul3A_133 : i32
      %add3A_135 = arith.constant 0 : i32
      %add3A_136 = arith.addi %mul3A_134, %add3A_135 : i32
      %mul3A_137 = arith.constant 2 : i32
      %mul3A_138 = arith.muli %scan3A_112, %mul3A_137 : i32
      %add3A_139 = arith.constant 0 : i32
      %add3A_140 = arith.addi %mul3A_138, %add3A_139 : i32
      %mul3A_141 = arith.constant 2 : i32
      %mul3A_142 = arith.muli %scan3A_112, %mul3A_141 : i32
      %add3A_143 = arith.constant 0 : i32
      %add3A_144 = arith.addi %mul3A_142, %add3A_143 : i32
      %mul3A_145 = arith.constant 2 : i32
      %mul3A_146 = arith.muli %scan3A_112, %mul3A_145 : i32
      %add3A_147 = arith.constant 1 : i32
      %add3A_148 = arith.addi %mul3A_146, %add3A_147 : i32
      %mul3A_149 = arith.constant 2 : i32
      %mul3A_150 = arith.muli %scan3A_112, %mul3A_149 : i32
      %add3A_151 = arith.constant 1 : i32
      %add3A_152 = arith.addi %mul3A_150, %add3A_151 : i32
      %mul3A_153 = arith.constant 2 : i32
      %mul3A_154 = arith.muli %scan3A_112, %mul3A_153 : i32
      %add3A_155 = arith.constant 1 : i32
      %add3A_156 = arith.addi %mul3A_154, %add3A_155 : i32
      %mul3A_157 = arith.constant 2 : i32
      %mul3A_158 = arith.muli %scan3A_112, %mul3A_157 : i32
      %add3A_159 = arith.constant 1 : i32
      %add3A_160 = arith.addi %mul3A_158, %add3A_159 : i32
      %mul3A_161 = arith.constant 2 : i32
      %mul3A_162 = arith.muli %scan3A_112, %mul3A_161 : i32
      %add3A_163 = arith.constant 1 : i32
      %add3A_164 = arith.addi %mul3A_162, %add3A_163 : i32
      %mul3A_165 = arith.constant 2 : i32
      %mul3A_166 = arith.muli %scan3A_112, %mul3A_165 : i32
      %add3A_167 = arith.constant 1 : i32
      %add3A_168 = arith.addi %mul3A_166, %add3A_167 : i32
      %mul3A_169 = arith.constant 2 : i32
      %mul3A_170 = arith.muli %scan3A_112, %mul3A_169 : i32
      %add3A_171 = arith.constant 1 : i32
      %add3A_172 = arith.addi %mul3A_170, %add3A_171 : i32
      %mul3A_173 = arith.constant 2 : i32
      %mul3A_174 = arith.muli %scan3A_112, %mul3A_173 : i32
      %add3A_175 = arith.constant 1 : i32
      %add3A_176 = arith.addi %mul3A_174, %add3A_175 : i32
      %get3A = arith.index_cast %add3A_116 : i32 to index
      %get3A_177 = arith.constant 0 : index
      %get3A_178 = tpu.vector_load %arg8[%get3A, %get3A_177] {strides = array<i32>} : memref<40x128xi32, #tpu.memory_space<vmem>>, vector<16xi32>,
      %get3A_179 = arith.index_cast %add3A_120 : i32 to index
      %get3A_180 = arith.constant 16 : index
      %get3A_181 = tpu.vector_load %arg8[%get3A_179, %get3A_180] {strides = array<i32>} : memref<40x128xi32, #tpu.memory_space<vmem>>, vector<16xi32>,
      %get3A_182 = arith.index_cast %add3A_124 : i32 to index
      %get3A_183 = arith.constant 32 : index
      %get3A_184 = tpu.vector_load %arg8[%get3A_182, %get3A_183] {strides = array<i32>} : memref<40x128xi32, #tpu.memory_space<vmem>>, vector<16xi32>,
      %get3A_185 = arith.index_cast %add3A_128 : i32 to index
      %get3A_186 = arith.constant 48 : index
      %get3A_187 = tpu.vector_load %arg8[%get3A_185, %get3A_186] {strides = array<i32>} : memref<40x128xi32, #tpu.memory_space<vmem>>, vector<16xi32>,
      %get3A_188 = arith.index_cast %add3A_132 : i32 to index
      %get3A_189 = arith.constant 64 : index
      %get3A_190 = tpu.vector_load %arg8[%get3A_188, %get3A_189] {strides = array<i32>} : memref<40x128xi32, #tpu.memory_space<vmem>>, vector<16xi32>,
      %get3A_191 = arith.index_cast %add3A_136 : i32 to index
      %get3A_192 = arith.constant 80 : index
      %get3A_193 = tpu.vector_load %arg8[%get3A_191, %get3A_192] {strides = array<i32>} : memref<40x128xi32, #tpu.memory_space<vmem>>, vector<16xi32>,
      %get3A_194 = arith.index_cast %add3A_140 : i32 to index
      %get3A_195 = arith.constant 96 : index
      %get3A_196 = tpu.vector_load %arg8[%get3A_194, %get3A_195] {strides = array<i32>} : memref<40x128xi32, #tpu.memory_space<vmem>>, vector<16xi32>,
      %get3A_197 = arith.index_cast %add3A_144 : i32 to index
      %get3A_198 = arith.constant 112 : index
      %get3A_199 = tpu.vector_load %arg8[%get3A_197, %get3A_198] {strides = array<i32>} : memref<40x128xi32, #tpu.memory_space<vmem>>, vector<16xi32>,
      %get3A_200 = arith.index_cast %add3A_148 : i32 to index
      %get3A_201 = arith.constant 0 : index
      %get3A_202 = tpu.vector_load %arg8[%get3A_200, %get3A_201] {strides = array<i32>} : memref<40x128xi32, #tpu.memory_space<vmem>>, vector<16xi32>,
      %get3A_203 = arith.index_cast %add3A_152 : i32 to index
      %get3A_204 = arith.constant 16 : index
      %get3A_205 = tpu.vector_load %arg8[%get3A_203, %get3A_204] {strides = array<i32>} : memref<40x128xi32, #tpu.memory_space<vmem>>, vector<16xi32>,
      %get3A_206 = arith.index_cast %add3A_156 : i32 to index
      %get3A_207 = arith.constant 32 : index
      %get3A_208 = tpu.vector_load %arg8[%get3A_206, %get3A_207] {strides = array<i32>} : memref<40x128xi32, #tpu.memory_space<vmem>>, vector<16xi32>,
      %get3A_209 = arith.index_cast %add3A_160 : i32 to index
      %get3A_210 = arith.constant 48 : index
      %get3A_211 = tpu.vector_load %arg8[%get3A_209, %get3A_210] {strides = array<i32>} : memref<40x128xi32, #tpu.memory_space<vmem>>, vector<16xi32>,
      %get3A_212 = arith.index_cast %add3A_164 : i32 to index
      %get3A_213 = arith.constant 64 : index
      %get3A_214 = tpu.vector_load %arg8[%get3A_212, %get3A_213] {strides = array<i32>} : memref<40x128xi32, #tpu.memory_space<vmem>>, vector<16xi32>,
      %get3A_215 = arith.index_cast %add3A_168 : i32 to index
      %get3A_216 = arith.constant 80 : index
      %get3A_217 = tpu.vector_load %arg8[%get3A_215, %get3A_216] {strides = array<i32>} : memref<40x128xi32, #tpu.memory_space<vmem>>, vector<16xi32>,
      %get3A_218 = arith.index_cast %add3A_172 : i32 to index
      %get3A_219 = arith.constant 96 : index
      %get3A_220 = tpu.vector_load %arg8[%get3A_218, %get3A_219] {strides = array<i32>} : memref<40x128xi32, #tpu.memory_space<vmem>>, vector<16xi32>,
      %get3A_221 = arith.index_cast %add3A_176 : i32 to index
      %get3A_222 = arith.constant 112 : index
      %get3A_223 = tpu.vector_load %arg8[%get3A_221, %get3A_222] {strides = array<i32>} : memref<40x128xi32, #tpu.memory_space<vmem>>, vector<16xi32>,
      %gather3A = tpu.vector_load_idx %arg6[%get3A_178] : memref<100000xf32, #tpu.memory_space<vmem>>[vector<16xi32>], vector<16xf32>,
      %gather3A_224 = tpu.vector_load_idx %arg6[%get3A_181] : memref<100000xf32, #tpu.memory_space<vmem>>[vector<16xi32>], vector<16xf32>,
      %gather3A_225 = tpu.vector_load_idx %arg6[%get3A_184] : memref<100000xf32, #tpu.memory_space<vmem>>[vector<16xi32>], vector<16xf32>,
      %gather3A_226 = tpu.vector_load_idx %arg6[%get3A_187] : memref<100000xf32, #tpu.memory_space<vmem>>[vector<16xi32>], vector<16xf32>,
      %gather3A_227 = tpu.vector_load_idx %arg6[%get3A_190] : memref<100000xf32, #tpu.memory_space<vmem>>[vector<16xi32>], vector<16xf32>,
      %gather3A_228 = tpu.vector_load_idx %arg6[%get3A_193] : memref<100000xf32, #tpu.memory_space<vmem>>[vector<16xi32>], vector<16xf32>,
      %gather3A_229 = tpu.vector_load_idx %arg6[%get3A_196] : memref<100000xf32, #tpu.memory_space<vmem>>[vector<16xi32>], vector<16xf32>,
      %gather3A_230 = tpu.vector_load_idx %arg6[%get3A_199] : memref<100000xf32, #tpu.memory_space<vmem>>[vector<16xi32>], vector<16xf32>,
      %gather3A_231 = tpu.vector_load_idx %arg6[%get3A_202] : memref<100000xf32, #tpu.memory_space<vmem>>[vector<16xi32>], vector<16xf32>,
      %gather3A_232 = tpu.vector_load_idx %arg6[%get3A_205] : memref<100000xf32, #tpu.memory_space<vmem>>[vector<16xi32>], vector<16xf32>,
      %gather3A_233 = tpu.vector_load_idx %arg6[%get3A_208] : memref<100000xf32, #tpu.memory_space<vmem>>[vector<16xi32>], vector<16xf32>,
      %gather3A_234 = tpu.vector_load_idx %arg6[%get3A_211] : memref<100000xf32, #tpu.memory_space<vmem>>[vector<16xi32>], vector<16xf32>,
      %gather3A_235 = tpu.vector_load_idx %arg6[%get3A_214] : memref<100000xf32, #tpu.memory_space<vmem>>[vector<16xi32>], vector<16xf32>,
      %gather3A_236 = tpu.vector_load_idx %arg6[%get3A_217] : memref<100000xf32, #tpu.memory_space<vmem>>[vector<16xi32>], vector<16xf32>,
      %gather3A_237 = tpu.vector_load_idx %arg6[%get3A_220] : memref<100000xf32, #tpu.memory_space<vmem>>[vector<16xi32>], vector<16xf32>,
      %gather3A_238 = tpu.vector_load_idx %arg6[%get3A_223] : memref<100000xf32, #tpu.memory_space<vmem>>[vector<16xi32>], vector<16xf32>,
      %swap3A = arith.index_cast %add3A_116 : i32 to index
      %swap3A_239 = arith.constant 0 : index
      %swap3A_240 = tpu.vector_load %arg10[%swap3A, %swap3A_239] {strides = array<i32>} : memref<40x128xf32, #tpu.memory_space<vmem>>, vector<16xf32>,
      tpu.vector_store %arg10[%swap3A, %swap3A_239], %gather3A {strides = array<i32>} : memref<40x128xf32, #tpu.memory_space<vmem>>, vector<16xf32>,
      %swap3A_241 = arith.index_cast %add3A_120 : i32 to index
      %swap3A_242 = arith.constant 16 : index
      %swap3A_243 = tpu.vector_load %arg10[%swap3A_241, %swap3A_242] {strides = array<i32>} : memref<40x128xf32, #tpu.memory_space<vmem>>, vector<16xf32>,
      tpu.vector_store %arg10[%swap3A_241, %swap3A_242], %gather3A_224 {strides = array<i32>} : memref<40x128xf32, #tpu.memory_space<vmem>>, vector<16xf32>,
      %swap3A_244 = arith.index_cast %add3A_124 : i32 to index
      %swap3A_245 = arith.constant 32 : index
      %swap3A_246 = tpu.vector_load %arg10[%swap3A_244, %swap3A_245] {strides = array<i32>} : memref<40x128xf32, #tpu.memory_space<vmem>>, vector<16xf32>,
      tpu.vector_store %arg10[%swap3A_244, %swap3A_245], %gather3A_225 {strides = array<i32>} : memref<40x128xf32, #tpu.memory_space<vmem>>, vector<16xf32>,
      %swap3A_247 = arith.index_cast %add3A_128 : i32 to index
      %swap3A_248 = arith.constant 48 : index
      %swap3A_249 = tpu.vector_load %arg10[%swap3A_247, %swap3A_248] {strides = array<i32>} : memref<40x128xf32, #tpu.memory_space<vmem>>, vector<16xf32>,
      tpu.vector_store %arg10[%swap3A_247, %swap3A_248], %gather3A_226 {strides = array<i32>} : memref<40x128xf32, #tpu.memory_space<vmem>>, vector<16xf32>,
      %swap3A_250 = arith.index_cast %add3A_132 : i32 to index
      %swap3A_251 = arith.constant 64 : index
      %swap3A_252 = tpu.vector_load %arg10[%swap3A_250, %swap3A_251] {strides = array<i32>} : memref<40x128xf32, #tpu.memory_space<vmem>>, vector<16xf32>,
      tpu.vector_store %arg10[%swap3A_250, %swap3A_251], %gather3A_227 {strides = array<i32>} : memref<40x128xf32, #tpu.memory_space<vmem>>, vector<16xf32>,
      %swap3A_253 = arith.index_cast %add3A_136 : i32 to index
      %swap3A_254 = arith.constant 80 : index
      %swap3A_255 = tpu.vector_load %arg10[%swap3A_253, %swap3A_254] {strides = array<i32>} : memref<40x128xf32, #tpu.memory_space<vmem>>, vector<16xf32>,
      tpu.vector_store %arg10[%swap3A_253, %swap3A_254], %gather3A_228 {strides = array<i32>} : memref<40x128xf32, #tpu.memory_space<vmem>>, vector<16xf32>,
      %swap3A_256 = arith.index_cast %add3A_140 : i32 to index
      %swap3A_257 = arith.constant 96 : index
      %swap3A_258 = tpu.vector_load %arg10[%swap3A_256, %swap3A_257] {strides = array<i32>} : memref<40x128xf32, #tpu.memory_space<vmem>>, vector<16xf32>,
      tpu.vector_store %arg10[%swap3A_256, %swap3A_257], %gather3A_229 {strides = array<i32>} : memref<40x128xf32, #tpu.memory_space<vmem>>, vector<16xf32>,
      %swap3A_259 = arith.index_cast %add3A_144 : i32 to index
      %swap3A_260 = arith.constant 112 : index
      %swap3A_261 = tpu.vector_load %arg10[%swap3A_259, %swap3A_260] {strides = array<i32>} : memref<40x128xf32, #tpu.memory_space<vmem>>, vector<16xf32>,
      tpu.vector_store %arg10[%swap3A_259, %swap3A_260], %gather3A_230 {strides = array<i32>} : memref<40x128xf32, #tpu.memory_space<vmem>>, vector<16xf32>,
      %swap3A_262 = arith.index_cast %add3A_148 : i32 to index
      %swap3A_263 = arith.constant 0 : index
      %swap3A_264 = tpu.vector_load %arg10[%swap3A_262, %swap3A_263] {strides = array<i32>} : memref<40x128xf32, #tpu.memory_space<vmem>>, vector<16xf32>,
      tpu.vector_store %arg10[%swap3A_262, %swap3A_263], %gather3A_231 {strides = array<i32>} : memref<40x128xf32, #tpu.memory_space<vmem>>, vector<16xf32>,
      %swap3A_265 = arith.index_cast %add3A_152 : i32 to index
      %swap3A_266 = arith.constant 16 : index
      %swap3A_267 = tpu.vector_load %arg10[%swap3A_265, %swap3A_266] {strides = array<i32>} : memref<40x128xf32, #tpu.memory_space<vmem>>, vector<16xf32>,
      tpu.vector_store %arg10[%swap3A_265, %swap3A_266], %gather3A_232 {strides = array<i32>} : memref<40x128xf32, #tpu.memory_space<vmem>>, vector<16xf32>,
      %swap3A_268 = arith.index_cast %add3A_156 : i32 to index
      %swap3A_269 = arith.constant 32 : index
      %swap3A_270 = tpu.vector_load %arg10[%swap3A_268, %swap3A_269] {strides = array<i32>} : memref<40x128xf32, #tpu.memory_space<vmem>>, vector<16xf32>,
      tpu.vector_store %arg10[%swap3A_268, %swap3A_269], %gather3A_233 {strides = array<i32>} : memref<40x128xf32, #tpu.memory_space<vmem>>, vector<16xf32>,
      %swap3A_271 = arith.index_cast %add3A_160 : i32 to index
      %swap3A_272 = arith.constant 48 : index
      %swap3A_273 = tpu.vector_load %arg10[%swap3A_271, %swap3A_272] {strides = array<i32>} : memref<40x128xf32, #tpu.memory_space<vmem>>, vector<16xf32>,
      tpu.vector_store %arg10[%swap3A_271, %swap3A_272], %gather3A_234 {strides = array<i32>} : memref<40x128xf32, #tpu.memory_space<vmem>>, vector<16xf32>,
      %swap3A_274 = arith.index_cast %add3A_164 : i32 to index
      %swap3A_275 = arith.constant 64 : index
      %swap3A_276 = tpu.vector_load %arg10[%swap3A_274, %swap3A_275] {strides = array<i32>} : memref<40x128xf32, #tpu.memory_space<vmem>>, vector<16xf32>,
      tpu.vector_store %arg10[%swap3A_274, %swap3A_275], %gather3A_235 {strides = array<i32>} : memref<40x128xf32, #tpu.memory_space<vmem>>, vector<16xf32>,
      %swap3A_277 = arith.index_cast %add3A_168 : i32 to index
      %swap3A_278 = arith.constant 80 : index
      %swap3A_279 = tpu.vector_load %arg10[%swap3A_277, %swap3A_278] {strides = array<i32>} : memref<40x128xf32, #tpu.memory_space<vmem>>, vector<16xf32>,
      tpu.vector_store %arg10[%swap3A_277, %swap3A_278], %gather3A_236 {strides = array<i32>} : memref<40x128xf32, #tpu.memory_space<vmem>>, vector<16xf32>,
      %swap3A_280 = arith.index_cast %add3A_172 : i32 to index
      %swap3A_281 = arith.constant 96 : index
      %swap3A_282 = tpu.vector_load %arg10[%swap3A_280, %swap3A_281] {strides = array<i32>} : memref<40x128xf32, #tpu.memory_space<vmem>>, vector<16xf32>,
      tpu.vector_store %arg10[%swap3A_280, %swap3A_281], %gather3A_237 {strides = array<i32>} : memref<40x128xf32, #tpu.memory_space<vmem>>, vector<16xf32>,
      %swap3A_283 = arith.index_cast %add3A_176 : i32 to index
      %swap3A_284 = arith.constant 112 : index
      %swap3A_285 = tpu.vector_load %arg10[%swap3A_283, %swap3A_284] {strides = array<i32>} : memref<40x128xf32, #tpu.memory_space<vmem>>, vector<16xf32>,
      tpu.vector_store %arg10[%swap3A_283, %swap3A_284], %gather3A_238 {strides = array<i32>} : memref<40x128xf32, #tpu.memory_space<vmem>>, vector<16xf32>,
    }
    %scan3A_81 = arith.constant 20 : i32
    %dma_start3A_82 = arith.constant 120 : i32
    %dma_start3A_83 = tpu.memref_slice %arg4[%dma_start3A_82, %mul3A_2] : memref<200x4096xf32, #tpu.memory_space<hbm>> -> memref<40x128xf32, #tpu.memory_space<hbm>>
    %dma_start3A_84 = arith.constant 120 : i32
    %dma_start3A_85 = tpu.memref_slice %arg4[%dma_start3A_84, %mul3A_2] : memref<200x4096xf32, #tpu.memory_space<hbm>> -> memref<40x128xf32, #tpu.memory_space<hbm>>
    tpu.enqueue_dma source(%arg10 : memref<40x128xf32, #tpu.memory_space<vmem>>) target(%dma_start3A_85 : memref<40x128xf32, #tpu.memory_space<hbm>>) target_semaphore(%arg15 : memref<!tpu.dma_semaphore, #tpu.memory_space<semaphore_mem>>)
    %dma_wait3A_86 = arith.constant 160 : i32
    %dma_wait3A_87 = tpu.memref_slice %arg3[%dma_wait3A_86, %mul3A_2] : memref<200x4096xi32, #tpu.memory_space<hbm>> -> memref<40x128xi32, #tpu.memory_space<hbm>>
    %dma_wait3A_88 = arith.constant 160 : i32
    %dma_wait3A_89 = tpu.memref_slice %arg3[%dma_wait3A_88, %mul3A_2] : memref<200x4096xi32, #tpu.memory_space<hbm>> -> memref<40x128xi32, #tpu.memory_space<hbm>>
    tpu.wait_dma2 semaphore(%arg12 : memref<!tpu.dma_semaphore, #tpu.memory_space<semaphore_mem>>) src(%dma_wait3A_89 : memref<40x128xi32, #tpu.memory_space<hbm>>) dst(%arg7 : memref<40x128xi32, #tpu.memory_space<vmem>>)
    %dma_wait3A_90 = arith.constant 80 : i32
    %dma_wait3A_91 = tpu.memref_slice %arg4[%dma_wait3A_90, %mul3A_2] : memref<200x4096xf32, #tpu.memory_space<hbm>> -> memref<40x128xf32, #tpu.memory_space<hbm>>
    %dma_wait3A_92 = arith.constant 80 : i32
    %dma_wait3A_93 = tpu.memref_slice %arg4[%dma_wait3A_92, %mul3A_2] : memref<200x4096xf32, #tpu.memory_space<hbm>> -> memref<40x128xf32, #tpu.memory_space<hbm>>
    tpu.wait_dma2 semaphore(%arg14 : memref<!tpu.dma_semaphore, #tpu.memory_space<semaphore_mem>>) src(%arg9 : memref<40x128xf32, #tpu.memory_space<vmem>>) dst(%dma_wait3A_93 : memref<40x128xf32, #tpu.memory_space<hbm>>)
    %scan3A_94 = arith.constant 0 : i32
    %scan3A_95 = arith.constant 0 : i32
    %scan3A_96 = arith.constant 20 : i32
    %scan3A_97 = arith.addi %scan3A_95, %scan3A_96 : i32
    %scan3A_98 = arith.constant 1 : i32
    scf.for %scan3A_112 = %scan3A_95 to %scan3A_97 step %scan3A_98  : i32 {
      %mul3A_113 = arith.constant 2 : i32
      %mul3A_114 = arith.muli %scan3A_112, %mul3A_113 : i32
      %add3A_115 = arith.constant 0 : i32
      %add3A_116 = arith.addi %mul3A_114, %add3A_115 : i32
      %mul3A_117 = arith.constant 2 : i32
      %mul3A_118 = arith.muli %scan3A_112, %mul3A_117 : i32
      %add3A_119 = arith.constant 0 : i32
      %add3A_120 = arith.addi %mul3A_118, %add3A_119 : i32
      %mul3A_121 = arith.constant 2 : i32
      %mul3A_122 = arith.muli %scan3A_112, %mul3A_121 : i32
      %add3A_123 = arith.constant 0 : i32
      %add3A_124 = arith.addi %mul3A_122, %add3A_123 : i32
      %mul3A_125 = arith.constant 2 : i32
      %mul3A_126 = arith.muli %scan3A_112, %mul3A_125 : i32
      %add3A_127 = arith.constant 0 : i32
      %add3A_128 = arith.addi %mul3A_126, %add3A_127 : i32
      %mul3A_129 = arith.constant 2 : i32
      %mul3A_130 = arith.muli %scan3A_112, %mul3A_129 : i32
      %add3A_131 = arith.constant 0 : i32
      %add3A_132 = arith.addi %mul3A_130, %add3A_131 : i32
      %mul3A_133 = arith.constant 2 : i32
      %mul3A_134 = arith.muli %scan3A_112, %mul3A_133 : i32
      %add3A_135 = arith.constant 0 : i32
      %add3A_136 = arith.addi %mul3A_134, %add3A_135 : i32
      %mul3A_137 = arith.constant 2 : i32
      %mul3A_138 = arith.muli %scan3A_112, %mul3A_137 : i32
      %add3A_139 = arith.constant 0 : i32
      %add3A_140 = arith.addi %mul3A_138, %add3A_139 : i32
      %mul3A_141 = arith.constant 2 : i32
      %mul3A_142 = arith.muli %scan3A_112, %mul3A_141 : i32
      %add3A_143 = arith.constant 0 : i32
      %add3A_144 = arith.addi %mul3A_142, %add3A_143 : i32
      %mul3A_145 = arith.constant 2 : i32
      %mul3A_146 = arith.muli %scan3A_112, %mul3A_145 : i32
      %add3A_147 = arith.constant 1 : i32
      %add3A_148 = arith.addi %mul3A_146, %add3A_147 : i32
      %mul3A_149 = arith.constant 2 : i32
      %mul3A_150 = arith.muli %scan3A_112, %mul3A_149 : i32
      %add3A_151 = arith.constant 1 : i32
      %add3A_152 = arith.addi %mul3A_150, %add3A_151 : i32
      %mul3A_153 = arith.constant 2 : i32
      %mul3A_154 = arith.muli %scan3A_112, %mul3A_153 : i32
      %add3A_155 = arith.constant 1 : i32
      %add3A_156 = arith.addi %mul3A_154, %add3A_155 : i32
      %mul3A_157 = arith.constant 2 : i32
      %mul3A_158 = arith.muli %scan3A_112, %mul3A_157 : i32
      %add3A_159 = arith.constant 1 : i32
      %add3A_160 = arith.addi %mul3A_158, %add3A_159 : i32
      %mul3A_161 = arith.constant 2 : i32
      %mul3A_162 = arith.muli %scan3A_112, %mul3A_161 : i32
      %add3A_163 = arith.constant 1 : i32
      %add3A_164 = arith.addi %mul3A_162, %add3A_163 : i32
      %mul3A_165 = arith.constant 2 : i32
      %mul3A_166 = arith.muli %scan3A_112, %mul3A_165 : i32
      %add3A_167 = arith.constant 1 : i32
      %add3A_168 = arith.addi %mul3A_166, %add3A_167 : i32
      %mul3A_169 = arith.constant 2 : i32
      %mul3A_170 = arith.muli %scan3A_112, %mul3A_169 : i32
      %add3A_171 = arith.constant 1 : i32
      %add3A_172 = arith.addi %mul3A_170, %add3A_171 : i32
      %mul3A_173 = arith.constant 2 : i32
      %mul3A_174 = arith.muli %scan3A_112, %mul3A_173 : i32
      %add3A_175 = arith.constant 1 : i32
      %add3A_176 = arith.addi %mul3A_174, %add3A_175 : i32
      %get3A = arith.index_cast %add3A_116 : i32 to index
      %get3A_177 = arith.constant 0 : index
      %get3A_178 = tpu.vector_load %arg7[%get3A, %get3A_177] {strides = array<i32>} : memref<40x128xi32, #tpu.memory_space<vmem>>, vector<16xi32>,
      %get3A_179 = arith.index_cast %add3A_120 : i32 to index
      %get3A_180 = arith.constant 16 : index
      %get3A_181 = tpu.vector_load %arg7[%get3A_179, %get3A_180] {strides = array<i32>} : memref<40x128xi32, #tpu.memory_space<vmem>>, vector<16xi32>,
      %get3A_182 = arith.index_cast %add3A_124 : i32 to index
      %get3A_183 = arith.constant 32 : index
      %get3A_184 = tpu.vector_load %arg7[%get3A_182, %get3A_183] {strides = array<i32>} : memref<40x128xi32, #tpu.memory_space<vmem>>, vector<16xi32>,
      %get3A_185 = arith.index_cast %add3A_128 : i32 to index
      %get3A_186 = arith.constant 48 : index
      %get3A_187 = tpu.vector_load %arg7[%get3A_185, %get3A_186] {strides = array<i32>} : memref<40x128xi32, #tpu.memory_space<vmem>>, vector<16xi32>,
      %get3A_188 = arith.index_cast %add3A_132 : i32 to index
      %get3A_189 = arith.constant 64 : index
      %get3A_190 = tpu.vector_load %arg7[%get3A_188, %get3A_189] {strides = array<i32>} : memref<40x128xi32, #tpu.memory_space<vmem>>, vector<16xi32>,
      %get3A_191 = arith.index_cast %add3A_136 : i32 to index
      %get3A_192 = arith.constant 80 : index
      %get3A_193 = tpu.vector_load %arg7[%get3A_191, %get3A_192] {strides = array<i32>} : memref<40x128xi32, #tpu.memory_space<vmem>>, vector<16xi32>,
      %get3A_194 = arith.index_cast %add3A_140 : i32 to index
      %get3A_195 = arith.constant 96 : index
      %get3A_196 = tpu.vector_load %arg7[%get3A_194, %get3A_195] {strides = array<i32>} : memref<40x128xi32, #tpu.memory_space<vmem>>, vector<16xi32>,
      %get3A_197 = arith.index_cast %add3A_144 : i32 to index
      %get3A_198 = arith.constant 112 : index
      %get3A_199 = tpu.vector_load %arg7[%get3A_197, %get3A_198] {strides = array<i32>} : memref<40x128xi32, #tpu.memory_space<vmem>>, vector<16xi32>,
      %get3A_200 = arith.index_cast %add3A_148 : i32 to index
      %get3A_201 = arith.constant 0 : index
      %get3A_202 = tpu.vector_load %arg7[%get3A_200, %get3A_201] {strides = array<i32>} : memref<40x128xi32, #tpu.memory_space<vmem>>, vector<16xi32>,
      %get3A_203 = arith.index_cast %add3A_152 : i32 to index
      %get3A_204 = arith.constant 16 : index
      %get3A_205 = tpu.vector_load %arg7[%get3A_203, %get3A_204] {strides = array<i32>} : memref<40x128xi32, #tpu.memory_space<vmem>>, vector<16xi32>,
      %get3A_206 = arith.index_cast %add3A_156 : i32 to index
      %get3A_207 = arith.constant 32 : index
      %get3A_208 = tpu.vector_load %arg7[%get3A_206, %get3A_207] {strides = array<i32>} : memref<40x128xi32, #tpu.memory_space<vmem>>, vector<16xi32>,
      %get3A_209 = arith.index_cast %add3A_160 : i32 to index
      %get3A_210 = arith.constant 48 : index
      %get3A_211 = tpu.vector_load %arg7[%get3A_209, %get3A_210] {strides = array<i32>} : memref<40x128xi32, #tpu.memory_space<vmem>>, vector<16xi32>,
      %get3A_212 = arith.index_cast %add3A_164 : i32 to index
      %get3A_213 = arith.constant 64 : index
      %get3A_214 = tpu.vector_load %arg7[%get3A_212, %get3A_213] {strides = array<i32>} : memref<40x128xi32, #tpu.memory_space<vmem>>, vector<16xi32>,
      %get3A_215 = arith.index_cast %add3A_168 : i32 to index
      %get3A_216 = arith.constant 80 : index
      %get3A_217 = tpu.vector_load %arg7[%get3A_215, %get3A_216] {strides = array<i32>} : memref<40x128xi32, #tpu.memory_space<vmem>>, vector<16xi32>,
      %get3A_218 = arith.index_cast %add3A_172 : i32 to index
      %get3A_219 = arith.constant 96 : index
      %get3A_220 = tpu.vector_load %arg7[%get3A_218, %get3A_219] {strides = array<i32>} : memref<40x128xi32, #tpu.memory_space<vmem>>, vector<16xi32>,
      %get3A_221 = arith.index_cast %add3A_176 : i32 to index
      %get3A_222 = arith.constant 112 : index
      %get3A_223 = tpu.vector_load %arg7[%get3A_221, %get3A_222] {strides = array<i32>} : memref<40x128xi32, #tpu.memory_space<vmem>>, vector<16xi32>,
      %gather3A = tpu.vector_load_idx %arg6[%get3A_178] : memref<100000xf32, #tpu.memory_space<vmem>>[vector<16xi32>], vector<16xf32>,
      %gather3A_224 = tpu.vector_load_idx %arg6[%get3A_181] : memref<100000xf32, #tpu.memory_space<vmem>>[vector<16xi32>], vector<16xf32>,
      %gather3A_225 = tpu.vector_load_idx %arg6[%get3A_184] : memref<100000xf32, #tpu.memory_space<vmem>>[vector<16xi32>], vector<16xf32>,
      %gather3A_226 = tpu.vector_load_idx %arg6[%get3A_187] : memref<100000xf32, #tpu.memory_space<vmem>>[vector<16xi32>], vector<16xf32>,
      %gather3A_227 = tpu.vector_load_idx %arg6[%get3A_190] : memref<100000xf32, #tpu.memory_space<vmem>>[vector<16xi32>], vector<16xf32>,
      %gather3A_228 = tpu.vector_load_idx %arg6[%get3A_193] : memref<100000xf32, #tpu.memory_space<vmem>>[vector<16xi32>], vector<16xf32>,
      %gather3A_229 = tpu.vector_load_idx %arg6[%get3A_196] : memref<100000xf32, #tpu.memory_space<vmem>>[vector<16xi32>], vector<16xf32>,
      %gather3A_230 = tpu.vector_load_idx %arg6[%get3A_199] : memref<100000xf32, #tpu.memory_space<vmem>>[vector<16xi32>], vector<16xf32>,
      %gather3A_231 = tpu.vector_load_idx %arg6[%get3A_202] : memref<100000xf32, #tpu.memory_space<vmem>>[vector<16xi32>], vector<16xf32>,
      %gather3A_232 = tpu.vector_load_idx %arg6[%get3A_205] : memref<100000xf32, #tpu.memory_space<vmem>>[vector<16xi32>], vector<16xf32>,
      %gather3A_233 = tpu.vector_load_idx %arg6[%get3A_208] : memref<100000xf32, #tpu.memory_space<vmem>>[vector<16xi32>], vector<16xf32>,
      %gather3A_234 = tpu.vector_load_idx %arg6[%get3A_211] : memref<100000xf32, #tpu.memory_space<vmem>>[vector<16xi32>], vector<16xf32>,
      %gather3A_235 = tpu.vector_load_idx %arg6[%get3A_214] : memref<100000xf32, #tpu.memory_space<vmem>>[vector<16xi32>], vector<16xf32>,
      %gather3A_236 = tpu.vector_load_idx %arg6[%get3A_217] : memref<100000xf32, #tpu.memory_space<vmem>>[vector<16xi32>], vector<16xf32>,
      %gather3A_237 = tpu.vector_load_idx %arg6[%get3A_220] : memref<100000xf32, #tpu.memory_space<vmem>>[vector<16xi32>], vector<16xf32>,
      %gather3A_238 = tpu.vector_load_idx %arg6[%get3A_223] : memref<100000xf32, #tpu.memory_space<vmem>>[vector<16xi32>], vector<16xf32>,
      %swap3A = arith.index_cast %add3A_116 : i32 to index
      %swap3A_239 = arith.constant 0 : index
      %swap3A_240 = tpu.vector_load %arg9[%swap3A, %swap3A_239] {strides = array<i32>} : memref<40x128xf32, #tpu.memory_space<vmem>>, vector<16xf32>,
      tpu.vector_store %arg9[%swap3A, %swap3A_239], %gather3A {strides = array<i32>} : memref<40x128xf32, #tpu.memory_space<vmem>>, vector<16xf32>,
      %swap3A_241 = arith.index_cast %add3A_120 : i32 to index
      %swap3A_242 = arith.constant 16 : index
      %swap3A_243 = tpu.vector_load %arg9[%swap3A_241, %swap3A_242] {strides = array<i32>} : memref<40x128xf32, #tpu.memory_space<vmem>>, vector<16xf32>,
      tpu.vector_store %arg9[%swap3A_241, %swap3A_242], %gather3A_224 {strides = array<i32>} : memref<40x128xf32, #tpu.memory_space<vmem>>, vector<16xf32>,
      %swap3A_244 = arith.index_cast %add3A_124 : i32 to index
      %swap3A_245 = arith.constant 32 : index
      %swap3A_246 = tpu.vector_load %arg9[%swap3A_244, %swap3A_245] {strides = array<i32>} : memref<40x128xf32, #tpu.memory_space<vmem>>, vector<16xf32>,
      tpu.vector_store %arg9[%swap3A_244, %swap3A_245], %gather3A_225 {strides = array<i32>} : memref<40x128xf32, #tpu.memory_space<vmem>>, vector<16xf32>,
      %swap3A_247 = arith.index_cast %add3A_128 : i32 to index
      %swap3A_248 = arith.constant 48 : index
      %swap3A_249 = tpu.vector_load %arg9[%swap3A_247, %swap3A_248] {strides = array<i32>} : memref<40x128xf32, #tpu.memory_space<vmem>>, vector<16xf32>,
      tpu.vector_store %arg9[%swap3A_247, %swap3A_248], %gather3A_226 {strides = array<i32>} : memref<40x128xf32, #tpu.memory_space<vmem>>, vector<16xf32>,
      %swap3A_250 = arith.index_cast %add3A_132 : i32 to index
      %swap3A_251 = arith.constant 64 : index
      %swap3A_252 = tpu.vector_load %arg9[%swap3A_250, %swap3A_251] {strides = array<i32>} : memref<40x128xf32, #tpu.memory_space<vmem>>, vector<16xf32>,
      tpu.vector_store %arg9[%swap3A_250, %swap3A_251], %gather3A_227 {strides = array<i32>} : memref<40x128xf32, #tpu.memory_space<vmem>>, vector<16xf32>,
      %swap3A_253 = arith.index_cast %add3A_136 : i32 to index
      %swap3A_254 = arith.constant 80 : index
      %swap3A_255 = tpu.vector_load %arg9[%swap3A_253, %swap3A_254] {strides = array<i32>} : memref<40x128xf32, #tpu.memory_space<vmem>>, vector<16xf32>,
      tpu.vector_store %arg9[%swap3A_253, %swap3A_254], %gather3A_228 {strides = array<i32>} : memref<40x128xf32, #tpu.memory_space<vmem>>, vector<16xf32>,
      %swap3A_256 = arith.index_cast %add3A_140 : i32 to index
      %swap3A_257 = arith.constant 96 : index
      %swap3A_258 = tpu.vector_load %arg9[%swap3A_256, %swap3A_257] {strides = array<i32>} : memref<40x128xf32, #tpu.memory_space<vmem>>, vector<16xf32>,
      tpu.vector_store %arg9[%swap3A_256, %swap3A_257], %gather3A_229 {strides = array<i32>} : memref<40x128xf32, #tpu.memory_space<vmem>>, vector<16xf32>,
      %swap3A_259 = arith.index_cast %add3A_144 : i32 to index
      %swap3A_260 = arith.constant 112 : index
      %swap3A_261 = tpu.vector_load %arg9[%swap3A_259, %swap3A_260] {strides = array<i32>} : memref<40x128xf32, #tpu.memory_space<vmem>>, vector<16xf32>,
      tpu.vector_store %arg9[%swap3A_259, %swap3A_260], %gather3A_230 {strides = array<i32>} : memref<40x128xf32, #tpu.memory_space<vmem>>, vector<16xf32>,
      %swap3A_262 = arith.index_cast %add3A_148 : i32 to index
      %swap3A_263 = arith.constant 0 : index
      %swap3A_264 = tpu.vector_load %arg9[%swap3A_262, %swap3A_263] {strides = array<i32>} : memref<40x128xf32, #tpu.memory_space<vmem>>, vector<16xf32>,
      tpu.vector_store %arg9[%swap3A_262, %swap3A_263], %gather3A_231 {strides = array<i32>} : memref<40x128xf32, #tpu.memory_space<vmem>>, vector<16xf32>,
      %swap3A_265 = arith.index_cast %add3A_152 : i32 to index
      %swap3A_266 = arith.constant 16 : index
      %swap3A_267 = tpu.vector_load %arg9[%swap3A_265, %swap3A_266] {strides = array<i32>} : memref<40x128xf32, #tpu.memory_space<vmem>>, vector<16xf32>,
      tpu.vector_store %arg9[%swap3A_265, %swap3A_266], %gather3A_232 {strides = array<i32>} : memref<40x128xf32, #tpu.memory_space<vmem>>, vector<16xf32>,
      %swap3A_268 = arith.index_cast %add3A_156 : i32 to index
      %swap3A_269 = arith.constant 32 : index
      %swap3A_270 = tpu.vector_load %arg9[%swap3A_268, %swap3A_269] {strides = array<i32>} : memref<40x128xf32, #tpu.memory_space<vmem>>, vector<16xf32>,
      tpu.vector_store %arg9[%swap3A_268, %swap3A_269], %gather3A_233 {strides = array<i32>} : memref<40x128xf32, #tpu.memory_space<vmem>>, vector<16xf32>,
      %swap3A_271 = arith.index_cast %add3A_160 : i32 to index
      %swap3A_272 = arith.constant 48 : index
      %swap3A_273 = tpu.vector_load %arg9[%swap3A_271, %swap3A_272] {strides = array<i32>} : memref<40x128xf32, #tpu.memory_space<vmem>>, vector<16xf32>,
      tpu.vector_store %arg9[%swap3A_271, %swap3A_272], %gather3A_234 {strides = array<i32>} : memref<40x128xf32, #tpu.memory_space<vmem>>, vector<16xf32>,
      %swap3A_274 = arith.index_cast %add3A_164 : i32 to index
      %swap3A_275 = arith.constant 64 : index
      %swap3A_276 = tpu.vector_load %arg9[%swap3A_274, %swap3A_275] {strides = array<i32>} : memref<40x128xf32, #tpu.memory_space<vmem>>, vector<16xf32>,
      tpu.vector_store %arg9[%swap3A_274, %swap3A_275], %gather3A_235 {strides = array<i32>} : memref<40x128xf32, #tpu.memory_space<vmem>>, vector<16xf32>,
      %swap3A_277 = arith.index_cast %add3A_168 : i32 to index
      %swap3A_278 = arith.constant 80 : index
      %swap3A_279 = tpu.vector_load %arg9[%swap3A_277, %swap3A_278] {strides = array<i32>} : memref<40x128xf32, #tpu.memory_space<vmem>>, vector<16xf32>,
      tpu.vector_store %arg9[%swap3A_277, %swap3A_278], %gather3A_236 {strides = array<i32>} : memref<40x128xf32, #tpu.memory_space<vmem>>, vector<16xf32>,
      %swap3A_280 = arith.index_cast %add3A_172 : i32 to index
      %swap3A_281 = arith.constant 96 : index
      %swap3A_282 = tpu.vector_load %arg9[%swap3A_280, %swap3A_281] {strides = array<i32>} : memref<40x128xf32, #tpu.memory_space<vmem>>, vector<16xf32>,
      tpu.vector_store %arg9[%swap3A_280, %swap3A_281], %gather3A_237 {strides = array<i32>} : memref<40x128xf32, #tpu.memory_space<vmem>>, vector<16xf32>,
      %swap3A_283 = arith.index_cast %add3A_176 : i32 to index
      %swap3A_284 = arith.constant 112 : index
      %swap3A_285 = tpu.vector_load %arg9[%swap3A_283, %swap3A_284] {strides = array<i32>} : memref<40x128xf32, #tpu.memory_space<vmem>>, vector<16xf32>,
      tpu.vector_store %arg9[%swap3A_283, %swap3A_284], %gather3A_238 {strides = array<i32>} : memref<40x128xf32, #tpu.memory_space<vmem>>, vector<16xf32>,
    }
    %scan3A_99 = arith.constant 20 : i32
    %dma_start3A_100 = arith.constant 160 : i32
    %dma_start3A_101 = tpu.memref_slice %arg4[%dma_start3A_100, %mul3A_2] : memref<200x4096xf32, #tpu.memory_space<hbm>> -> memref<40x128xf32, #tpu.memory_space<hbm>>
    %dma_start3A_102 = arith.constant 160 : i32
    %dma_start3A_103 = tpu.memref_slice %arg4[%dma_start3A_102, %mul3A_2] : memref<200x4096xf32, #tpu.memory_space<hbm>> -> memref<40x128xf32, #tpu.memory_space<hbm>>
    tpu.enqueue_dma source(%arg9 : memref<40x128xf32, #tpu.memory_space<vmem>>) target(%dma_start3A_103 : memref<40x128xf32, #tpu.memory_space<hbm>>) target_semaphore(%arg14 : memref<!tpu.dma_semaphore, #tpu.memory_space<semaphore_mem>>)
    %dma_wait3A_104 = arith.constant 120 : i32
    %dma_wait3A_105 = tpu.memref_slice %arg4[%dma_wait3A_104, %mul3A_2] : memref<200x4096xf32, #tpu.memory_space<hbm>> -> memref<40x128xf32, #tpu.memory_space<hbm>>
    %dma_wait3A_106 = arith.constant 120 : i32
    %dma_wait3A_107 = tpu.memref_slice %arg4[%dma_wait3A_106, %mul3A_2] : memref<200x4096xf32, #tpu.memory_space<hbm>> -> memref<40x128xf32, #tpu.memory_space<hbm>>
    tpu.wait_dma2 semaphore(%arg15 : memref<!tpu.dma_semaphore, #tpu.memory_space<semaphore_mem>>) src(%arg10 : memref<40x128xf32, #tpu.memory_space<vmem>>) dst(%dma_wait3A_107 : memref<40x128xf32, #tpu.memory_space<hbm>>)
    %dma_wait3A_108 = arith.constant 160 : i32
    %dma_wait3A_109 = tpu.memref_slice %arg4[%dma_wait3A_108, %mul3A_2] : memref<200x4096xf32, #tpu.memory_space<hbm>> -> memref<40x128xf32, #tpu.memory_space<hbm>>
    %dma_wait3A_110 = arith.constant 160 : i32
    %dma_wait3A_111 = tpu.memref_slice %arg4[%dma_wait3A_110, %mul3A_2] : memref<200x4096xf32, #tpu.memory_space<hbm>> -> memref<40x128xf32, #tpu.memory_space<hbm>>
    tpu.wait_dma2 semaphore(%arg14 : memref<!tpu.dma_semaphore, #tpu.memory_space<semaphore_mem>>) src(%arg9 : memref<40x128xf32, #tpu.memory_space<vmem>>) dst(%dma_wait3A_111 : memref<40x128xf32, #tpu.memory_space<hbm>>)
    return
  }
}

</mosaic_0001>

<sc_bundles>
// kernel: kernel.3.cloned.1.call-start
scs
__scs_entry_jumppad:
0x0: {  	(pc) =	sbr.rel $0x88, $3  }
0x1: {  	(tag) =	ssettag $0x0;
	lr =	simm.s32 $0x1  }
0x2: {  	[smem:$0x3F9F] =	sst lr;
	_ =	strace $0xD0000000  }
0x3: {  	_ = 	snop  }
0x4: {  	_ = 	snop  }
0x5: {  	_ = 	snop  }
0x6: {  	_ = 	snop  }
0x7: {  	_ = 	snop  }
__scs_overlays_trampoline_lowered:
0x8: {  	[smem:$0x3FAE] =	sst s0  }
0x9: {  	[smem:$0x3FAF] =	sst s1  }
0xa: {  	[smem:$0x3FB0] =	sst s2  }
0xb: {  	[smem:$0x3FB1] =	sst s3  }
0xc: {  	[smem:$0x3FB2] =	sst s4  }
0xd: {  	[smem:$0x3FB3] =	sst s5  }
0xe: {  	[smem:$0x3FB4] =	sst s6  }
0xf: {  	[smem:$0x3FB5] =	sst s7  }
0x10: {  	[smem:$0x3FB6] =	sst s8  }
0x11: {  	[smem:$0x3FB7] =	sst s9;
	s0 =	simm.s32 @!p0 $0x0  }
0x12: {  	s1 =	sld [smem:$0x3F9D];
	s0 =	simm.s32 @p0 $0x1  }
0x13: {  	[smem:$0x3FB8] =	sst s0;
	s0 =	simm.s32 @!p1 $0x0  }
0x14: {  	s2 =	sld [smem:$0x3F9C];
	s0 =	simm.s32 @p1 $0x1  }
0x15: {  	[smem:$0x3FB9] =	sst s0;
	s0 =	simm.s32 @!p2 $0x0  }
0x16: {  	s3 =	sld [smem:$0x3FDB];
	s0 =	simm.s32 @p2 $0x1  }
0x17: {  	s4 =	simm.s32 $0x1BF5;
	[smem:$0x3FBB] =	sst s0  }
0x18: {  	s0 =	sld [smem:$0x3F9E];
	_ =	swait.ge [sflag:s4], $0x0  }
0x19: {  	s7 =	sld [smem:$0x3F9F]  }
0x1a: {  	s8 =	sadd.s32 $0xFFFFE003, lr  }
0x1b: {  	s9 =	sadd.s32 $0xFFFFFEF7, lr;
	s5 =	simm.s32 $0xFFFFFFFF;
	p2 =	slt.u32 s8, $0xFFFFF086  }
0x1c: {  	p1 =	slt.u32 s9, $0xF7A;
	s5 =	simm.s32 @!p2 $0x0  }
0x1d: {  	s5 =	simm.s32 @p1 $0x1;
	p0 =	seq.s32 s7, s2  }
0x1e: {  	s7 =	smul.u32 @!p0 $0xF7A, s2;
	p2 =	seq.s32 @!p0 s5, $0x0  }
0x1f: {  	s9 =	smul.u32 $0xF7A, s1;
	s8 =	simm.s32 @!p0 $0x1BF5;
	p2 =	por !p2, p0  }
0x20: {  	[sflag:s8] =	ssyncset.s32 @!p0 $0xFFFFF086;
	s6 =	sadd.s32 @!p0 s3, s7;
	s7 =	simm.s32 @!p0 $0x108  }
0x21: {  	s3 =	sadd.s32 s3, s9;
	s6 =	sadd.s32 @!p0 $0x88, s6;
	s7 =	simm.s32 @p2 $0x1082  }
0x22: {  	[simem:s7], [sflag:s8] =	dma.local @!p0 [hbm:s6], $0xF7A  }
0x23: {  	s9 =	sor.u32 $0xD0000000, s2;
	s6 =	simm.s32 $0x108;
	_ =	swait.ge @!p0 [sflag:s8], $0x0  }
0x24: {  	s3 =	sadd.s32 $0x88, s3;
	s6 =	simm.s32 @!p1 $0x1082;
	[sflag:s4] =	ssyncset.s32 $0xFFFFF086  }
0x25: {  	[simem:s6], [sflag:s4] =	dma.local [hbm:s3], $0xF7A  }
0x26: {  	[smem:$0x3F9F] =	sst s1;
	(tag) =	ssettag s2;
	_ =	strace s9  }
0x27: {  	s1 =	sld [smem:$0x3FAF]  }
0x28: {  	s2 =	sld [smem:$0x3FB0]  }
0x29: {  	s4 =	sld [smem:$0x3FB2]  }
0x2a: {  	p0 =	seq.s32 s5, $0x0;
	s5 =	sld [smem:$0x3FB3]  }
0x2b: {  	s6 =	sld [smem:$0x3FB4]  }
0x2c: {  	s7 =	sld [smem:$0x3FB5]  }
0x2d: {  	s3 =	simm.s32 $0x108;
	s8 =	sld [smem:$0x3FB6]  }
0x2e: {  	s3 =	simm.s32 @!p0 $0x1082;
	s9 =	sld [smem:$0x3FB7]  }
0x2f: {  	lr =	sadd.s32 s0, s3;
	s0 =	sld [smem:$0x3FAE]  }
0x30: {  	s3 =	sld [smem:$0x3FB1]  }
0x31: {  	[smem:$0x3FBA] =	sst s10  }
0x32: {  	s10 =	sld [smem:$0x3FB8];
	_ =	sdelay $0x3  }
0x33: {  	p0 =	seq.s32 s10, $0x1;
	s10 =	sld [smem:$0x3FBA];
	_ =	sdelay $0x3  }
0x34: {  	[smem:$0x3FBA] =	sst s10  }
0x35: {  	s10 =	sld [smem:$0x3FB9];
	_ =	sdelay $0x3  }
0x36: {  	p1 =	seq.s32 s10, $0x1;
	s10 =	sld [smem:$0x3FBA];
	_ =	sdelay $0x3  }
0x37: {  	[smem:$0x3FBA] =	sst s10  }
0x38: {  	s10 =	sld [smem:$0x3FBB]  }
0x39: {  	_ = 	snop;
	(pc) =	sbr.ind lr, $3  }
0x3a: {  	_ = 	snop  }
0x3b: {  	_ = 	snop  }
0x3c: {  	p2 =	seq.s32 s10, $0x1;
	s10 =	sld [smem:$0x3FBA]  }
0x3d: {  	_ =	shalt  }
0x3e: {  	_ =	shalt  }
0x3f: {  	_ =	shalt  }
0x40: {  	_ =	shalt  }
0x41: {  	_ =	shalt  }
0x42: {  	_ =	shalt  }
0x43: {  	_ =	shalt  }
0x44: {  	_ =	shalt  }
0x45: {  	_ =	shalt  }
0x46: {  	_ =	shalt  }
0x47: {  	_ =	shalt  }
0x48: {  	_ =	shalt  }
0x49: {  	_ =	shalt  }
0x4a: {  	_ =	shalt  }
0x4b: {  	_ =	shalt  }
0x4c: {  	_ =	shalt  }
0x4d: {  	_ =	shalt  }
0x4e: {  	_ =	shalt  }
0x4f: {  	_ =	shalt  }
0x50: {  	_ =	shalt  }
0x51: {  	_ =	shalt  }
0x52: {  	_ =	shalt  }
0x53: {  	_ =	shalt  }
0x54: {  	_ =	shalt  }
0x55: {  	_ =	shalt  }
0x56: {  	_ =	shalt  }
0x57: {  	_ =	shalt  }
0x58: {  	_ =	shalt  }
0x59: {  	_ =	shalt  }
0x5a: {  	_ =	shalt  }
0x5b: {  	_ =	shalt  }
0x5c: {  	_ =	shalt  }
0x5d: {  	_ =	shalt  }
0x5e: {  	_ =	shalt  }
0x5f: {  	_ =	shalt  }
0x60: {  	_ =	shalt  }
0x61: {  	_ =	shalt  }
0x62: {  	_ =	shalt  }
0x63: {  	_ =	shalt  }
0x64: {  	_ =	shalt  }
0x65: {  	_ =	shalt  }
0x66: {  	_ =	shalt  }
0x67: {  	_ =	shalt  }
0x68: {  	_ =	shalt  }
0x69: {  	_ =	shalt  }
0x6a: {  	_ =	shalt  }
0x6b: {  	_ =	shalt  }
0x6c: {  	_ =	shalt  }
0x6d: {  	_ =	shalt  }
0x6e: {  	_ =	shalt  }
0x6f: {  	_ =	shalt  }
0x70: {  	_ =	shalt  }
0x71: {  	_ =	shalt  }
0x72: {  	_ =	shalt  }
0x73: {  	_ =	shalt  }
0x74: {  	_ =	shalt  }
0x75: {  	_ =	shalt  }
0x76: {  	_ =	shalt  }
0x77: {  	_ =	shalt  }
0x78: {  	_ =	shalt  }
0x79: {  	_ =	shalt  }
0x7a: {  	_ =	shalt  }
0x7b: {  	_ =	shalt  }
0x7c: {  	_ =	shalt  }
0x7d: {  	_ =	shalt  }
0x7e: {  	_ =	shalt  }
0x7f: {  	_ =	shalt  }
0x80: {  	_ =	shalt  }
0x81: {  	_ =	shalt  }
0x82: {  	_ =	shalt  }
0x83: {  	_ =	shalt  }
0x84: {  	_ =	shalt  }
0x85: {  	_ =	shalt  }
0x86: {  	_ =	shalt  }
0x87: {  	_ =	shalt  }
.Lfunc_end0:
.L_simem_size_0:
called_computation_lowered:
.L_overlay_start_0:
0x88: {  	s2 =	sld [smem:$0x3FD9]  }
0x89: {  	s3 =	sld [smem:$0x3FFE];
	_ =	sdelay $0x1  }
0x8a: {  	s1 =	srdreg.scid  }
0x8b: {  	s0 =	sand.u32 $0x1, s1  }
0x8c: {  	s18 =	sshll.u32 s0, $0xA;
	s2 =	sadd.s32 s3, s2  }
0x8d: {  	s2 =	sadd.s32 s2, s18  }
0x8e: {  	[smem:$0x3FC6] =	sst s2  }
0x8f: {  	_ = 	snop  }
0x90: {  	s2 =	sld [smem:$0x3FC9]  }
0x91: {  	s19 =	sld [smem:$0x3FC8]  }
0x92: {  	s4 =	sld [smem:$0x3FD0];
	(tm) =	ssettm $0x1  }
0x93: {  	s5 =	sld [smem:$0x3FFB];
	_ =	sdelay $0x3  }
0x94: {  	_ =	strace s5  }
0x95: {  	s5 =	sld [smem:$0x3FFC];
	_ =	sdelay $0x3  }
0x96: {  	_ =	strace s5  }
0x97: {  	s5 =	sld [smem:$0x3FFD];
	_ =	sdelay $0x3  }
0x98: {  	_ =	strace s5  }
0x99: {  	_ =	strace $0x8FFFFFFF  }
0x9a: {  	s20 =	sld [smem:$0x3FDB];
	_ =	sdelay $0x1  }
0x9b: {  	s6 =	simm.s32 $_scs_section_size  }
0x9c: {  	s7 =	simm.s32 $_size__tile_overlayer_lowered;
	s8 =	simm.s32 $_tile_overlayer_lowered  }
0x9d: {  	s23 =	simm.s32 $0x1BFF;
	s22 =	sshll.u32 s8, $0x1;
	s5 =	sadd.s32 s6, s20  }
0x9e: {  	s9 =	simm.s32 $0x0;
	s21 =	sshll.u32 s7, $0x1;
	s7 =	sadd.s32 s22, s5  }
0x9f: {  	[timem:s9], [sflag:s23] =	dma.local [hbm:s7], s21  }
0xa0: {  	_ =	swait.ge [sflag:s23], s21  }
0xa1: {  	s6 =	ssub.s32 $0x0, s21;
	[sflag:s23] =	ssyncset.done $0x0  }
0xa2: {  	[sflag:s23] =	ssyncadd.s32 s6;
	_ =	sdelay $0x1  }
0xa3: {  	s24 =	simm.s32 $0x1B8B  }
0xa4: {  	_ =	swait.ge [sflag:s24], $0x1  }
0xa5: {  	[sflag:s24] =	ssyncset.done $0x0  }
0xa6: {  	s25 =	simm.s32 $0x1B8E;
	[sflag:s24] =	ssyncadd.s32 $0xFFFFFFFF  }
0xa7: {  	s26 =	simm.s32 $execute0_lowered;
	[smem:$0x3FD2] =	sst s25  }
0xa8: {  	s6 =	sshll.u32 s26, $0x1;
	_ =	strace $0x80000046;
	[dreg:$0x1] =	wrdreg $0xFFFFFFFF  }
0xa9: {  	s28 =	simm.s32 $_size_execute0_lowered;
	s5 =	sadd.s32 s5, s6;
	[dreg:$0x0] =	wrdreg $0x0  }
0xaa: {  	s6 =	sshll.u32 s28, $0x1;
	[dreg:$0x2] =	wrdreg s5  }
0xab: {  	[dreg:$0x3] =	wrdreg s6  }
0xac: {  	[dreg:$0x4] =	wrdreg $0xC0  }
0xad: {  	_ =	task [dreg:s9], $0x5FFFF  }
0xae: {  	[dreg:$0x1] =	wrdreg $0xFFFFFFFF  }
0xaf: {  	[dreg:$0x0] =	wrdreg $0x60  }
0xb0: {  	[dreg:$0x2] =	wrdreg s19  }
0xb1: {  	[dreg:$0x3] =	wrdreg s2  }
0xb2: {  	[dreg:$0x4] =	wrdreg s4  }
0xb3: {  	[dreg:$0x5] =	wrdreg $0x0  }
0xb4: {  	[dreg:$0x6] =	wrdreg $0x9  }
0xb5: {  	_ =	task.clear_ibuf [dreg:s9], $0x7FFFF;
	_ =	strace $0x90000046  }
0xb6: {  	s29 =	simm.s32 $0x9;
	_ =	strace $0x80000048  }
0xb7: {  	_ =	swait.ge [sflag:s29], $0x1  }
0xb8: {  	[sflag:s29] =	ssyncadd.s32 $0xFFFFFFFF  }
0xb9: {  	_ =	strace $0x90000048  }
0xba: {  	_ =	sfence  }
0xbb: {  	s30 =	sld [smem:$0x0];
	_ =	sdelay $0x2  }
0xbc: {  	s31 =	sshll.u32 s1, $0xD;
	s1 =	sshrl.u32 s1, $0x2  }
0xbd: {  	s3 =	sand.u32 $0x4000, s31;
	s1 =	sadd.s32 s1, s30  }
0xbe: {  	s0 =	sor.u32 s3, s0;
	s1 =	sshll.u32 s1, $0x11  }
0xbf: {  	s0 =	sor.u32 s1, s0  }
0xc0: {  	s0 =	sadd.s32 $0x8F2B, s0  }
0xc1: {  	[sflag:s0] =	ssyncadd.remote.s32 $0x1  }
0xc2: {  	_ =	sfence.sel $0xFFFF  }
0xc3: {  	[dreg:$0x0] =	wrdreg $0xFFFFFFFF;
	(pc) =	sbr.abs _section_cstart, $3  }
0xc4: {  	[dreg:$0x1] =	wrdreg $0xFFFFFFFF  }
0xc5: {  	_ =	task.clear_ibuf [dreg:s9], $0x2FFFF;
	_ =	strace $0x9FFFFFFF  }
0xc6: {  	(tm) =	ssettm $0x7FFFFFFF  }
0xc7: {  	_ =	shalt  }
tec
execute0_lowered:
.L_overlay_start_1:
0x0: {  	(tag) =	ssettag $0x1  }
0x1: {  	s1 =	rddreg [dreg:$0x0]  }
0x2: {  	s11 =	rddreg [dreg:$0x1]  }
0x3: {  	s13 =	rddreg [dreg:$0x2]  }
0x4: {  	s2 =	rddreg [dreg:$0x3]  }
0x5: {  	s0 =	rddreg [dreg:$0x4];
	s3 =	simm.s32 $0x0;
	s4 =	srdreg.scid  }
0x6: {  	s15 =	stileid.u32;
	s18 =	simm.s32 $0x1B370;
	s20 =	simm.s32 $0x1870  }
0x7: {  	s21 =	simm.s32 $0x1;
	s22 =	simm.s32 $0x2;
	s23 =	simm.s32 $0x1C770  }
0x8: {  	s24 =	simm.s32 $0x3;
	s25 =	simm.s32 $0x1DB70;
	s26 =	simm.s32 $0x4  }
0x9: {  	s28 =	simm.s32 $0x5;
	[smem:$0x7FF] =	sst s3;
	s4 =	sand.u32 $0x1, s4  }
0xa: {  	s6 =	sshll.u32 s15, $0x8;
	p0 =	sne.s32 s15, $0x0;
	s15 =	simm.s32 $0x400  }
0xb: {  	s5 =	ssub.s32 $0x2, s4;
	s4 =	sshll.u32 s4, $0x7;
	_ =	strace $0x80000047  }
0xc: {  	s19 =	sshrl.u32 @!p0 s2, $0x3;
	s7 =	sshrl.u32 s5, $0x1;
	s12 =	sor.u32 s4, s6  }
0xd: {  	s14 =	ssub.s32 s5, s7;
	s4 =	sadd.s32 s11, s12;
	s8 =	sor.u32 $0x5000, s12  }
0xe: {  	s6 =	sadd.s32 s13, s12;
	s10 =	sor.u32 $0xA000, s12;
	s16 =	sor.u32 $0xF000, s12  }
0xf: {  	s17 =	sor.u32 $0x14000, s12;
	s5 =	sadd.s32 s11, s8;
	s7 =	sadd.s32 s11, s10  }
0x10: {  	s8 =	sadd.s32 s13, s8;
	s9 =	sadd.s32 s11, s16;
	s10 =	sadd.s32 s13, s10  }
0x11: {  	s11 =	sadd.s32 s11, s17;
	s12 =	sadd.s32 s13, s16;
	s13 =	sadd.s32 s13, s17  }
0x12: {  	s14 =	smax.u32 s14, $0x1;
	s16 =	simm.s32 $0x8000;
	s17 =	simm.s32 $0x19F70  }
.LBB2_1:
0x13: {  	[tilespmem:s17], [sflag:$0x2] =	stream.strided.gather [hbm4b:s4+s15], $0x1400, s16, s15, $0x38;
	[tilespmem:$0x1EF70] =	vst v63  }
0x14: {  	s29 =	simm.s32 @!p0 $0x1C06  }
0x15: {  	[tilespmem:s18], [sflag:$0x3] =	stream.strided.gather [hbm4b:s5+s15], $0x1400, s16, s15, $0x38;
	[tilespmem:$0x1EF70] =	vst v63  }
0x16: {  	[spmem:s19], [sflag:s29] =	dma.local @!p0 [hbm:s1], $0x30E0  }
0x17: {  	s29 =	simm.s32 @!p0 $0x6  }
0x18: {  	_ =	swait.ge @!p0 [sflag:s29], $0x30E0  }
0x19: {  	[sflag:s29] =	ssyncset.done @!p0 $0x0  }
0x1a: {  	[sflag:s29] =	ssyncadd.s32 @!p0 $0xFFFFCF20  }
0x1b: {  	[bflag:$0x0] =	sbarrier.arrive $0xFFFF  }
0x1c: {  	[tilespmem:s20], [sflag:$0x1] =	stream.linear.gather [spmem:s2], $0x18700, $0x38;
	[tilespmem:$0x1EF70] =	vst v63  }
0x1d: {  	_ =	swait.ge [sflag:s21], $0x18700  }
0x1e: {  	[sflag:s21] =	ssyncset.done $0x0  }
0x1f: {  	[sflag:s21] =	ssyncadd.s32 $0xFFFE7900  }
0x20: {  	_ =	swait.ge [sflag:s22], $0x1400  }
0x21: {  	[sflag:s22] =	ssyncset.done $0x0  }
0x22: {  	s29 =	simm.s32 $0xF0;
	[sflag:s22] =	ssyncadd.s32 $0xFFFFEC00  }
0x23: {  	v14 =	vld [tilespmem:s29+$0x19E80]  }
0x24: {  	v0 =	vld [tilespmem:s29+$0x19E90]  }
0x25: {  	v1 =	vld [tilespmem:s29+$0x19EA0]  }
0x26: {  	v2 =	vld [tilespmem:s29+$0x19EB0]  }
0x27: {  	v3 =	vld [tilespmem:s29+$0x19EC0]  }
0x28: {  	v4 =	vld [tilespmem:s29+$0x19ED0]  }
0x29: {  	v5 =	vld [tilespmem:s29+$0x19EE0]  }
0x2a: {  	v7 =	vld [tilespmem:s29+$0x19EF0]  }
0x2b: {  	v9 =	vld [tilespmem:s29+$0x19F00]  }
0x2c: {  	v6 =	vld [tilespmem:s29+$0x19F10]  }
0x2d: {  	v8 =	vld [tilespmem:s29+$0x19F20]  }
0x2e: {  	v10 =	vld [tilespmem:s29+$0x19F30]  }
0x2f: {  	v11 =	vld [tilespmem:s29+$0x19F40]  }
0x30: {  	v12 =	vld [tilespmem:s29+$0x19F50]  }
0x31: {  	v13 =	vld [tilespmem:s29+$0x19F60]  }
0x32: {  	v15 =	vld [tilespmem:s29+$0x19F70]  }
0x33: {  	s30 =	simm.s32 $0x7C0;
	v14 =	vld.idx.msk [tilespmem:v14+s20+$0x0], $0xffff  }
.LBB2_2:
0x34: {  	p1 =	sne.s32 s30, $0x4FC0;
	v16 =	vld.idx.msk [tilespmem:v0+s20+$0x0], $0xffff  }
0x35: {  	v17 =	vld.idx.msk [tilespmem:v1+s20+$0x0], $0xffff  }
0x36: {  	v18 =	vld.idx.msk [tilespmem:v2+s20+$0x0], $0xffff  }
0x37: {  	v19 =	vld.idx.msk [tilespmem:v3+s20+$0x0], $0xffff  }
0x38: {  	v20 =	vld.idx.msk [tilespmem:v4+s20+$0x0], $0xffff  }
0x39: {  	v21 =	vld.idx.msk [tilespmem:v5+s20+$0x0], $0xffff  }
0x3a: {  	v22 =	vld.idx.msk [tilespmem:v7+s20+$0x0], $0xffff  }
0x3b: {  	v23 =	vld.idx.msk [tilespmem:v9+s20+$0x0], $0xffff  }
0x3c: {  	v0 =	vld.idx.msk [tilespmem:v15+s20+$0x0], $0xffff  }
0x3d: {  	v15 =	vld.idx.msk [tilespmem:v6+s20+$0x0], $0xffff  }
0x3e: {  	v24 =	vld.idx.msk [tilespmem:v8+s20+$0x0], $0xffff  }
0x3f: {  	v25 =	vld.idx.msk [tilespmem:v10+s20+$0x0], $0xffff  }
0x40: {  	v26 =	vld.idx.msk [tilespmem:v11+s20+$0x0], $0xffff  }
0x41: {  	v27 =	vld.idx.msk [tilespmem:v12+s20+$0x0], $0xffff  }
0x42: {  	s31 =	sshra.s32 s30, $0x2;
	v28 =	vld.idx.msk [tilespmem:v13+s20+$0x0], $0xffff;
	[tilespmem:s29+$0x1C770] =	vst v0  }
0x43: {  	v29 =	vld [tilespmem:s31+$0x19E80];
	[tilespmem:s29+$0x1C680] =	vst v14  }
0x44: {  	v0 =	vld [tilespmem:s31+$0x19E90];
	[tilespmem:s29+$0x1C690] =	vst v16  }
0x45: {  	v1 =	vld [tilespmem:s31+$0x19EA0];
	[tilespmem:s29+$0x1C6A0] =	vst v17  }
0x46: {  	v2 =	vld [tilespmem:s31+$0x19EB0];
	[tilespmem:s29+$0x1C6B0] =	vst v18  }
0x47: {  	v3 =	vld [tilespmem:s31+$0x19EC0];
	[tilespmem:s29+$0x1C6C0] =	vst v19  }
0x48: {  	v4 =	vld [tilespmem:s31+$0x19ED0];
	[tilespmem:s29+$0x1C6D0] =	vst v20  }
0x49: {  	v5 =	vld [tilespmem:s31+$0x19EE0];
	[tilespmem:s29+$0x1C6E0] =	vst v21  }
0x4a: {  	v7 =	vld [tilespmem:s31+$0x19EF0];
	[tilespmem:s29+$0x1C6F0] =	vst v22  }
0x4b: {  	v9 =	vld [tilespmem:s31+$0x19F00];
	[tilespmem:s29+$0x1C700] =	vst v23  }
0x4c: {  	v6 =	vld [tilespmem:s31+$0x19F10];
	[tilespmem:s29+$0x1C710] =	vst v15  }
0x4d: {  	v8 =	vld [tilespmem:s31+$0x19F20];
	[tilespmem:s29+$0x1C720] =	vst v24  }
0x4e: {  	v10 =	vld [tilespmem:s31+$0x19F30];
	[tilespmem:s29+$0x1C730] =	vst v25  }
.Ltmp0:
0x4f: {  	v11 =	vld [tilespmem:s31+$0x19F40];
	[tilespmem:s29+$0x1C740] =	vst v26;
	(pc) =	sbr.rel @p1 .LBB2_2-.Ltmp0, $4  }
0x50: {  	v12 =	vld [tilespmem:s31+$0x19F50];
	[tilespmem:s29+$0x1C750] =	vst v27  }
0x51: {  	v13 =	vld [tilespmem:s31+$0x19F60];
	[tilespmem:s29+$0x1C760] =	vst v28;
	s29 =	smov.u32 s31  }
0x52: {  	v15 =	vld [tilespmem:s29+$0x19F70]  }
0x53: {  	s30 =	sadd.s32 $0x400, s30;
	v14 =	vld.idx.msk [tilespmem:v29+s20+$0x0], $0xffff  }
0x54: {  	_ =	sdelay $0x3  }
0x55: {  	v0 =	vld.idx.msk [tilespmem:v0+s20+$0x0], $0xffff  }
0x56: {  	v1 =	vld.idx.msk [tilespmem:v1+s20+$0x0], $0xffff  }
0x57: {  	v2 =	vld.idx.msk [tilespmem:v2+s20+$0x0], $0xffff  }
0x58: {  	v3 =	vld.idx.msk [tilespmem:v3+s20+$0x0], $0xffff  }
0x59: {  	v4 =	vld.idx.msk [tilespmem:v4+s20+$0x0], $0xffff  }
0x5a: {  	v5 =	vld.idx.msk [tilespmem:v5+s20+$0x0], $0xffff  }
0x5b: {  	v7 =	vld.idx.msk [tilespmem:v7+s20+$0x0], $0xffff  }
0x5c: {  	v9 =	vld.idx.msk [tilespmem:v9+s20+$0x0], $0xffff  }
0x5d: {  	v6 =	vld.idx.msk [tilespmem:v6+s20+$0x0], $0xffff  }
0x5e: {  	v8 =	vld.idx.msk [tilespmem:v8+s20+$0x0], $0xffff  }
0x5f: {  	v10 =	vld.idx.msk [tilespmem:v10+s20+$0x0], $0xffff  }
0x60: {  	v11 =	vld.idx.msk [tilespmem:v11+s20+$0x0], $0xffff  }
0x61: {  	v12 =	vld.idx.msk [tilespmem:v12+s20+$0x0], $0xffff  }
0x62: {  	v13 =	vld.idx.msk [tilespmem:v13+s20+$0x0], $0xffff  }
0x63: {  	v15 =	vld.idx.msk [tilespmem:v15+s20+$0x0], $0xffff;
	[tilespmem:s29+$0x1C680] =	vst v14  }
0x64: {  	[tilespmem:s29+$0x1C690] =	vst v0  }
0x65: {  	[tilespmem:s29+$0x1C6A0] =	vst v1  }
0x66: {  	[tilespmem:s29+$0x1C6B0] =	vst v2  }
0x67: {  	[tilespmem:s29+$0x1C6C0] =	vst v3  }
0x68: {  	[tilespmem:s29+$0x1C6D0] =	vst v4  }
0x69: {  	[tilespmem:s29+$0x1C6E0] =	vst v5  }
0x6a: {  	[tilespmem:s29+$0x1C6F0] =	vst v7  }
0x6b: {  	[tilespmem:s29+$0x1C700] =	vst v9  }
0x6c: {  	[tilespmem:s29+$0x1C710] =	vst v6  }
0x6d: {  	[tilespmem:s29+$0x1C720] =	vst v8  }
0x6e: {  	[tilespmem:s29+$0x1C730] =	vst v10  }
0x6f: {  	[tilespmem:s29+$0x1C740] =	vst v11  }
0x70: {  	[tilespmem:s29+$0x1C750] =	vst v12  }
0x71: {  	[tilespmem:s29+$0x1C760] =	vst v13  }
0x72: {  	[tilespmem:s29+$0x1C770] =	vst v15  }
0x73: {  	[hbm4b:s6+s15] =	stream.strided.scatter [tilespmem:s23], [sflag:$0x4], $0x1400, s16, s15, $0x38;
	[tilespmem:$0x1EF70] =	vst v63  }
0x74: {  	_ = 	snop  }
0x75: {  	[tilespmem:s17], [sflag:$0x2] =	stream.strided.gather [hbm4b:s7+s15], $0x1400, s16, s15, $0x38;
	[tilespmem:$0x1EF70] =	vst v63  }
0x76: {  	_ =	swait.ge [sflag:s24], $0x1400  }
0x77: {  	[sflag:s24] =	ssyncset.done $0x0  }
0x78: {  	s29 =	simm.s32 $0xF0;
	[sflag:s24] =	ssyncadd.s32 $0xFFFFEC00  }
0x79: {  	v14 =	vld [tilespmem:s29+$0x1B280]  }
0x7a: {  	v0 =	vld [tilespmem:s29+$0x1B290]  }
0x7b: {  	v1 =	vld [tilespmem:s29+$0x1B2A0]  }
0x7c: {  	v2 =	vld [tilespmem:s29+$0x1B2B0]  }
0x7d: {  	v3 =	vld [tilespmem:s29+$0x1B2C0]  }
0x7e: {  	v4 =	vld [tilespmem:s29+$0x1B2D0]  }
0x7f: {  	v5 =	vld [tilespmem:s29+$0x1B2E0]  }
0x80: {  	v7 =	vld [tilespmem:s29+$0x1B2F0]  }
0x81: {  	v9 =	vld [tilespmem:s29+$0x1B300]  }
0x82: {  	v6 =	vld [tilespmem:s29+$0x1B310]  }
0x83: {  	v8 =	vld [tilespmem:s29+$0x1B320]  }
0x84: {  	v10 =	vld [tilespmem:s29+$0x1B330]  }
0x85: {  	v11 =	vld [tilespmem:s29+$0x1B340]  }
0x86: {  	v12 =	vld [tilespmem:s29+$0x1B350]  }
0x87: {  	v13 =	vld [tilespmem:s29+$0x1B360]  }
0x88: {  	v15 =	vld [tilespmem:s29+$0x1B370]  }
0x89: {  	s30 =	simm.s32 $0x7C0;
	v14 =	vld.idx.msk [tilespmem:v14+s20+$0x0], $0xffff  }
.LBB2_4:
0x8a: {  	p1 =	sne.s32 s30, $0x4FC0;
	v16 =	vld.idx.msk [tilespmem:v0+s20+$0x0], $0xffff  }
0x8b: {  	v17 =	vld.idx.msk [tilespmem:v1+s20+$0x0], $0xffff  }
0x8c: {  	v18 =	vld.idx.msk [tilespmem:v2+s20+$0x0], $0xffff  }
0x8d: {  	v19 =	vld.idx.msk [tilespmem:v3+s20+$0x0], $0xffff  }
0x8e: {  	v20 =	vld.idx.msk [tilespmem:v4+s20+$0x0], $0xffff  }
0x8f: {  	v21 =	vld.idx.msk [tilespmem:v5+s20+$0x0], $0xffff  }
0x90: {  	v22 =	vld.idx.msk [tilespmem:v7+s20+$0x0], $0xffff  }
0x91: {  	v23 =	vld.idx.msk [tilespmem:v9+s20+$0x0], $0xffff  }
0x92: {  	v0 =	vld.idx.msk [tilespmem:v15+s20+$0x0], $0xffff  }
0x93: {  	v15 =	vld.idx.msk [tilespmem:v6+s20+$0x0], $0xffff  }
0x94: {  	v24 =	vld.idx.msk [tilespmem:v8+s20+$0x0], $0xffff  }
0x95: {  	v25 =	vld.idx.msk [tilespmem:v10+s20+$0x0], $0xffff  }
0x96: {  	v26 =	vld.idx.msk [tilespmem:v11+s20+$0x0], $0xffff  }
0x97: {  	v27 =	vld.idx.msk [tilespmem:v12+s20+$0x0], $0xffff  }
0x98: {  	s31 =	sshra.s32 s30, $0x2;
	v28 =	vld.idx.msk [tilespmem:v13+s20+$0x0], $0xffff;
	[tilespmem:s29+$0x1DB70] =	vst v0  }
0x99: {  	v29 =	vld [tilespmem:s31+$0x1B280];
	[tilespmem:s29+$0x1DA80] =	vst v14  }
0x9a: {  	v0 =	vld [tilespmem:s31+$0x1B290];
	[tilespmem:s29+$0x1DA90] =	vst v16  }
0x9b: {  	v1 =	vld [tilespmem:s31+$0x1B2A0];
	[tilespmem:s29+$0x1DAA0] =	vst v17  }
0x9c: {  	v2 =	vld [tilespmem:s31+$0x1B2B0];
	[tilespmem:s29+$0x1DAB0] =	vst v18  }
0x9d: {  	v3 =	vld [tilespmem:s31+$0x1B2C0];
	[tilespmem:s29+$0x1DAC0] =	vst v19  }
0x9e: {  	v4 =	vld [tilespmem:s31+$0x1B2D0];
	[tilespmem:s29+$0x1DAD0] =	vst v20  }
0x9f: {  	v5 =	vld [tilespmem:s31+$0x1B2E0];
	[tilespmem:s29+$0x1DAE0] =	vst v21  }
0xa0: {  	v7 =	vld [tilespmem:s31+$0x1B2F0];
	[tilespmem:s29+$0x1DAF0] =	vst v22  }
0xa1: {  	v9 =	vld [tilespmem:s31+$0x1B300];
	[tilespmem:s29+$0x1DB00] =	vst v23  }
0xa2: {  	v6 =	vld [tilespmem:s31+$0x1B310];
	[tilespmem:s29+$0x1DB10] =	vst v15  }
0xa3: {  	v8 =	vld [tilespmem:s31+$0x1B320];
	[tilespmem:s29+$0x1DB20] =	vst v24  }
0xa4: {  	v10 =	vld [tilespmem:s31+$0x1B330];
	[tilespmem:s29+$0x1DB30] =	vst v25  }
.Ltmp1:
0xa5: {  	v11 =	vld [tilespmem:s31+$0x1B340];
	[tilespmem:s29+$0x1DB40] =	vst v26;
	(pc) =	sbr.rel @p1 .LBB2_4-.Ltmp1, $4  }
0xa6: {  	v12 =	vld [tilespmem:s31+$0x1B350];
	[tilespmem:s29+$0x1DB50] =	vst v27  }
0xa7: {  	v13 =	vld [tilespmem:s31+$0x1B360];
	[tilespmem:s29+$0x1DB60] =	vst v28;
	s29 =	smov.u32 s31  }
0xa8: {  	v15 =	vld [tilespmem:s29+$0x1B370]  }
0xa9: {  	s30 =	sadd.s32 $0x400, s30;
	v14 =	vld.idx.msk [tilespmem:v29+s20+$0x0], $0xffff  }
0xaa: {  	_ =	sdelay $0x3  }
0xab: {  	v0 =	vld.idx.msk [tilespmem:v0+s20+$0x0], $0xffff  }
0xac: {  	v1 =	vld.idx.msk [tilespmem:v1+s20+$0x0], $0xffff  }
0xad: {  	v2 =	vld.idx.msk [tilespmem:v2+s20+$0x0], $0xffff  }
0xae: {  	v3 =	vld.idx.msk [tilespmem:v3+s20+$0x0], $0xffff  }
0xaf: {  	v4 =	vld.idx.msk [tilespmem:v4+s20+$0x0], $0xffff  }
0xb0: {  	v5 =	vld.idx.msk [tilespmem:v5+s20+$0x0], $0xffff  }
0xb1: {  	v7 =	vld.idx.msk [tilespmem:v7+s20+$0x0], $0xffff  }
0xb2: {  	v9 =	vld.idx.msk [tilespmem:v9+s20+$0x0], $0xffff  }
0xb3: {  	v6 =	vld.idx.msk [tilespmem:v6+s20+$0x0], $0xffff  }
0xb4: {  	v8 =	vld.idx.msk [tilespmem:v8+s20+$0x0], $0xffff  }
0xb5: {  	v10 =	vld.idx.msk [tilespmem:v10+s20+$0x0], $0xffff  }
0xb6: {  	v11 =	vld.idx.msk [tilespmem:v11+s20+$0x0], $0xffff  }
0xb7: {  	v12 =	vld.idx.msk [tilespmem:v12+s20+$0x0], $0xffff  }
0xb8: {  	v13 =	vld.idx.msk [tilespmem:v13+s20+$0x0], $0xffff  }
0xb9: {  	v15 =	vld.idx.msk [tilespmem:v15+s20+$0x0], $0xffff;
	[tilespmem:s29+$0x1DA80] =	vst v14  }
0xba: {  	[tilespmem:s29+$0x1DA90] =	vst v0  }
0xbb: {  	[tilespmem:s29+$0x1DAA0] =	vst v1  }
0xbc: {  	[tilespmem:s29+$0x1DAB0] =	vst v2  }
0xbd: {  	[tilespmem:s29+$0x1DAC0] =	vst v3  }
0xbe: {  	[tilespmem:s29+$0x1DAD0] =	vst v4  }
0xbf: {  	[tilespmem:s29+$0x1DAE0] =	vst v5  }
0xc0: {  	[tilespmem:s29+$0x1DAF0] =	vst v7  }
0xc1: {  	[tilespmem:s29+$0x1DB00] =	vst v9  }
0xc2: {  	[tilespmem:s29+$0x1DB10] =	vst v6  }
0xc3: {  	[tilespmem:s29+$0x1DB20] =	vst v8  }
0xc4: {  	[tilespmem:s29+$0x1DB30] =	vst v10  }
0xc5: {  	[tilespmem:s29+$0x1DB40] =	vst v11  }
0xc6: {  	[tilespmem:s29+$0x1DB50] =	vst v12  }
0xc7: {  	[tilespmem:s29+$0x1DB60] =	vst v13  }
0xc8: {  	[tilespmem:s29+$0x1DB70] =	vst v15  }
0xc9: {  	[hbm4b:s8+s15] =	stream.strided.scatter [tilespmem:s25], [sflag:$0x5], $0x1400, s16, s15, $0x38;
	[tilespmem:$0x1EF70] =	vst v63  }
0xca: {  	_ = 	snop  }
0xcb: {  	[tilespmem:s18], [sflag:$0x3] =	stream.strided.gather [hbm4b:s9+s15], $0x1400, s16, s15, $0x38;
	[tilespmem:$0x1EF70] =	vst v63  }
0xcc: {  	_ =	swait.ge [sflag:s22], $0x1400  }
0xcd: {  	[sflag:s22] =	ssyncset.done $0x0  }
0xce: {  	[sflag:s22] =	ssyncadd.s32 $0xFFFFEC00  }
0xcf: {  	_ =	swait.ge [sflag:s26], $0x1400  }
0xd0: {  	[sflag:s26] =	ssyncset.done $0x0  }
0xd1: {  	s29 =	simm.s32 $0xF0;
	[sflag:s26] =	ssyncadd.s32 $0xFFFFEC00  }
0xd2: {  	v14 =	vld [tilespmem:s29+$0x19E80]  }
0xd3: {  	v0 =	vld [tilespmem:s29+$0x19E90]  }
0xd4: {  	v1 =	vld [tilespmem:s29+$0x19EA0]  }
0xd5: {  	v2 =	vld [tilespmem:s29+$0x19EB0]  }
0xd6: {  	v3 =	vld [tilespmem:s29+$0x19EC0]  }
0xd7: {  	v4 =	vld [tilespmem:s29+$0x19ED0]  }
0xd8: {  	v5 =	vld [tilespmem:s29+$0x19EE0]  }
0xd9: {  	v7 =	vld [tilespmem:s29+$0x19EF0]  }
0xda: {  	v9 =	vld [tilespmem:s29+$0x19F00]  }
0xdb: {  	v6 =	vld [tilespmem:s29+$0x19F10]  }
0xdc: {  	v8 =	vld [tilespmem:s29+$0x19F20]  }
0xdd: {  	v10 =	vld [tilespmem:s29+$0x19F30]  }
0xde: {  	v11 =	vld [tilespmem:s29+$0x19F40]  }
0xdf: {  	v12 =	vld [tilespmem:s29+$0x19F50]  }
0xe0: {  	v13 =	vld [tilespmem:s29+$0x19F60]  }
0xe1: {  	v15 =	vld [tilespmem:s29+$0x19F70]  }
0xe2: {  	s30 =	simm.s32 $0x7C0;
	v14 =	vld.idx.msk [tilespmem:v14+s20+$0x0], $0xffff  }
.LBB2_6:
0xe3: {  	p1 =	sne.s32 s30, $0x4FC0;
	v16 =	vld.idx.msk [tilespmem:v0+s20+$0x0], $0xffff  }
0xe4: {  	v17 =	vld.idx.msk [tilespmem:v1+s20+$0x0], $0xffff  }
0xe5: {  	v18 =	vld.idx.msk [tilespmem:v2+s20+$0x0], $0xffff  }
0xe6: {  	v19 =	vld.idx.msk [tilespmem:v3+s20+$0x0], $0xffff  }
0xe7: {  	v20 =	vld.idx.msk [tilespmem:v4+s20+$0x0], $0xffff  }
0xe8: {  	v21 =	vld.idx.msk [tilespmem:v5+s20+$0x0], $0xffff  }
0xe9: {  	v22 =	vld.idx.msk [tilespmem:v7+s20+$0x0], $0xffff  }
0xea: {  	v23 =	vld.idx.msk [tilespmem:v9+s20+$0x0], $0xffff  }
0xeb: {  	v0 =	vld.idx.msk [tilespmem:v15+s20+$0x0], $0xffff  }
0xec: {  	v15 =	vld.idx.msk [tilespmem:v6+s20+$0x0], $0xffff  }
0xed: {  	v24 =	vld.idx.msk [tilespmem:v8+s20+$0x0], $0xffff  }
0xee: {  	v25 =	vld.idx.msk [tilespmem:v10+s20+$0x0], $0xffff  }
0xef: {  	v26 =	vld.idx.msk [tilespmem:v11+s20+$0x0], $0xffff  }
0xf0: {  	v27 =	vld.idx.msk [tilespmem:v12+s20+$0x0], $0xffff  }
0xf1: {  	s31 =	sshra.s32 s30, $0x2;
	v28 =	vld.idx.msk [tilespmem:v13+s20+$0x0], $0xffff;
	[tilespmem:s29+$0x1C770] =	vst v0  }
0xf2: {  	v29 =	vld [tilespmem:s31+$0x19E80];
	[tilespmem:s29+$0x1C680] =	vst v14  }
0xf3: {  	v0 =	vld [tilespmem:s31+$0x19E90];
	[tilespmem:s29+$0x1C690] =	vst v16  }
0xf4: {  	v1 =	vld [tilespmem:s31+$0x19EA0];
	[tilespmem:s29+$0x1C6A0] =	vst v17  }
0xf5: {  	v2 =	vld [tilespmem:s31+$0x19EB0];
	[tilespmem:s29+$0x1C6B0] =	vst v18  }
0xf6: {  	v3 =	vld [tilespmem:s31+$0x19EC0];
	[tilespmem:s29+$0x1C6C0] =	vst v19  }
0xf7: {  	v4 =	vld [tilespmem:s31+$0x19ED0];
	[tilespmem:s29+$0x1C6D0] =	vst v20  }
0xf8: {  	v5 =	vld [tilespmem:s31+$0x19EE0];
	[tilespmem:s29+$0x1C6E0] =	vst v21  }
0xf9: {  	v7 =	vld [tilespmem:s31+$0x19EF0];
	[tilespmem:s29+$0x1C6F0] =	vst v22  }
0xfa: {  	v9 =	vld [tilespmem:s31+$0x19F00];
	[tilespmem:s29+$0x1C700] =	vst v23  }
0xfb: {  	v6 =	vld [tilespmem:s31+$0x19F10];
	[tilespmem:s29+$0x1C710] =	vst v15  }
0xfc: {  	v8 =	vld [tilespmem:s31+$0x19F20];
	[tilespmem:s29+$0x1C720] =	vst v24  }
0xfd: {  	v10 =	vld [tilespmem:s31+$0x19F30];
	[tilespmem:s29+$0x1C730] =	vst v25  }
.Ltmp2:
0xfe: {  	v11 =	vld [tilespmem:s31+$0x19F40];
	[tilespmem:s29+$0x1C740] =	vst v26;
	(pc) =	sbr.rel @p1 .LBB2_6-.Ltmp2, $4  }
0xff: {  	v12 =	vld [tilespmem:s31+$0x19F50];
	[tilespmem:s29+$0x1C750] =	vst v27  }
0x100: {  	v13 =	vld [tilespmem:s31+$0x19F60];
	[tilespmem:s29+$0x1C760] =	vst v28;
	s29 =	smov.u32 s31  }
0x101: {  	v15 =	vld [tilespmem:s29+$0x19F70]  }
0x102: {  	s30 =	sadd.s32 $0x400, s30;
	v14 =	vld.idx.msk [tilespmem:v29+s20+$0x0], $0xffff  }
0x103: {  	_ =	sdelay $0x3  }
0x104: {  	v0 =	vld.idx.msk [tilespmem:v0+s20+$0x0], $0xffff  }
0x105: {  	v1 =	vld.idx.msk [tilespmem:v1+s20+$0x0], $0xffff  }
0x106: {  	v2 =	vld.idx.msk [tilespmem:v2+s20+$0x0], $0xffff  }
0x107: {  	v3 =	vld.idx.msk [tilespmem:v3+s20+$0x0], $0xffff  }
0x108: {  	v4 =	vld.idx.msk [tilespmem:v4+s20+$0x0], $0xffff  }
0x109: {  	v5 =	vld.idx.msk [tilespmem:v5+s20+$0x0], $0xffff  }
0x10a: {  	v7 =	vld.idx.msk [tilespmem:v7+s20+$0x0], $0xffff  }
0x10b: {  	v9 =	vld.idx.msk [tilespmem:v9+s20+$0x0], $0xffff  }
0x10c: {  	v6 =	vld.idx.msk [tilespmem:v6+s20+$0x0], $0xffff  }
0x10d: {  	v8 =	vld.idx.msk [tilespmem:v8+s20+$0x0], $0xffff  }
0x10e: {  	v10 =	vld.idx.msk [tilespmem:v10+s20+$0x0], $0xffff  }
0x10f: {  	v11 =	vld.idx.msk [tilespmem:v11+s20+$0x0], $0xffff  }
0x110: {  	v12 =	vld.idx.msk [tilespmem:v12+s20+$0x0], $0xffff  }
0x111: {  	v13 =	vld.idx.msk [tilespmem:v13+s20+$0x0], $0xffff  }
0x112: {  	v15 =	vld.idx.msk [tilespmem:v15+s20+$0x0], $0xffff;
	[tilespmem:s29+$0x1C680] =	vst v14  }
0x113: {  	[tilespmem:s29+$0x1C690] =	vst v0  }
0x114: {  	[tilespmem:s29+$0x1C6A0] =	vst v1  }
0x115: {  	[tilespmem:s29+$0x1C6B0] =	vst v2  }
0x116: {  	[tilespmem:s29+$0x1C6C0] =	vst v3  }
0x117: {  	[tilespmem:s29+$0x1C6D0] =	vst v4  }
0x118: {  	[tilespmem:s29+$0x1C6E0] =	vst v5  }
0x119: {  	[tilespmem:s29+$0x1C6F0] =	vst v7  }
0x11a: {  	[tilespmem:s29+$0x1C700] =	vst v9  }
0x11b: {  	[tilespmem:s29+$0x1C710] =	vst v6  }
0x11c: {  	[tilespmem:s29+$0x1C720] =	vst v8  }
0x11d: {  	[tilespmem:s29+$0x1C730] =	vst v10  }
0x11e: {  	[tilespmem:s29+$0x1C740] =	vst v11  }
0x11f: {  	[tilespmem:s29+$0x1C750] =	vst v12  }
0x120: {  	[tilespmem:s29+$0x1C760] =	vst v13  }
0x121: {  	[tilespmem:s29+$0x1C770] =	vst v15  }
0x122: {  	[hbm4b:s10+s15] =	stream.strided.scatter [tilespmem:s23], [sflag:$0x4], $0x1400, s16, s15, $0x38;
	[tilespmem:$0x1EF70] =	vst v63  }
0x123: {  	_ = 	snop  }
0x124: {  	[tilespmem:s17], [sflag:$0x2] =	stream.strided.gather [hbm4b:s11+s15], $0x1400, s16, s15, $0x38;
	[tilespmem:$0x1EF70] =	vst v63  }
0x125: {  	_ =	swait.ge [sflag:s24], $0x1400  }
0x126: {  	[sflag:s24] =	ssyncset.done $0x0  }
0x127: {  	[sflag:s24] =	ssyncadd.s32 $0xFFFFEC00  }
0x128: {  	_ =	swait.ge [sflag:s28], $0x1400  }
0x129: {  	[sflag:s28] =	ssyncset.done $0x0  }
0x12a: {  	s29 =	simm.s32 $0xF0;
	[sflag:s28] =	ssyncadd.s32 $0xFFFFEC00  }
0x12b: {  	v14 =	vld [tilespmem:s29+$0x1B280]  }
0x12c: {  	v0 =	vld [tilespmem:s29+$0x1B290]  }
0x12d: {  	v1 =	vld [tilespmem:s29+$0x1B2A0]  }
0x12e: {  	v2 =	vld [tilespmem:s29+$0x1B2B0]  }
0x12f: {  	v3 =	vld [tilespmem:s29+$0x1B2C0]  }
0x130: {  	v4 =	vld [tilespmem:s29+$0x1B2D0]  }
0x131: {  	v5 =	vld [tilespmem:s29+$0x1B2E0]  }
0x132: {  	v7 =	vld [tilespmem:s29+$0x1B2F0]  }
0x133: {  	v9 =	vld [tilespmem:s29+$0x1B300]  }
0x134: {  	v6 =	vld [tilespmem:s29+$0x1B310]  }
0x135: {  	v8 =	vld [tilespmem:s29+$0x1B320]  }
0x136: {  	v10 =	vld [tilespmem:s29+$0x1B330]  }
0x137: {  	v11 =	vld [tilespmem:s29+$0x1B340]  }
0x138: {  	v12 =	vld [tilespmem:s29+$0x1B350]  }
0x139: {  	v13 =	vld [tilespmem:s29+$0x1B360]  }
0x13a: {  	v15 =	vld [tilespmem:s29+$0x1B370]  }
0x13b: {  	s30 =	simm.s32 $0x7C0;
	v14 =	vld.idx.msk [tilespmem:v14+s20+$0x0], $0xffff  }
.LBB2_8:
0x13c: {  	p1 =	sne.s32 s30, $0x4FC0;
	v16 =	vld.idx.msk [tilespmem:v0+s20+$0x0], $0xffff  }
0x13d: {  	v17 =	vld.idx.msk [tilespmem:v1+s20+$0x0], $0xffff  }
0x13e: {  	v18 =	vld.idx.msk [tilespmem:v2+s20+$0x0], $0xffff  }
0x13f: {  	v19 =	vld.idx.msk [tilespmem:v3+s20+$0x0], $0xffff  }
0x140: {  	v20 =	vld.idx.msk [tilespmem:v4+s20+$0x0], $0xffff  }
0x141: {  	v21 =	vld.idx.msk [tilespmem:v5+s20+$0x0], $0xffff  }
0x142: {  	v22 =	vld.idx.msk [tilespmem:v7+s20+$0x0], $0xffff  }
0x143: {  	v23 =	vld.idx.msk [tilespmem:v9+s20+$0x0], $0xffff  }
0x144: {  	v0 =	vld.idx.msk [tilespmem:v15+s20+$0x0], $0xffff  }
0x145: {  	v15 =	vld.idx.msk [tilespmem:v6+s20+$0x0], $0xffff  }
0x146: {  	v24 =	vld.idx.msk [tilespmem:v8+s20+$0x0], $0xffff  }
0x147: {  	v25 =	vld.idx.msk [tilespmem:v10+s20+$0x0], $0xffff  }
0x148: {  	v26 =	vld.idx.msk [tilespmem:v11+s20+$0x0], $0xffff  }
0x149: {  	v27 =	vld.idx.msk [tilespmem:v12+s20+$0x0], $0xffff  }
0x14a: {  	s31 =	sshra.s32 s30, $0x2;
	v28 =	vld.idx.msk [tilespmem:v13+s20+$0x0], $0xffff;
	[tilespmem:s29+$0x1DB70] =	vst v0  }
0x14b: {  	v29 =	vld [tilespmem:s31+$0x1B280];
	[tilespmem:s29+$0x1DA80] =	vst v14  }
0x14c: {  	v0 =	vld [tilespmem:s31+$0x1B290];
	[tilespmem:s29+$0x1DA90] =	vst v16  }
0x14d: {  	v1 =	vld [tilespmem:s31+$0x1B2A0];
	[tilespmem:s29+$0x1DAA0] =	vst v17  }
0x14e: {  	v2 =	vld [tilespmem:s31+$0x1B2B0];
	[tilespmem:s29+$0x1DAB0] =	vst v18  }
0x14f: {  	v3 =	vld [tilespmem:s31+$0x1B2C0];
	[tilespmem:s29+$0x1DAC0] =	vst v19  }
0x150: {  	v4 =	vld [tilespmem:s31+$0x1B2D0];
	[tilespmem:s29+$0x1DAD0] =	vst v20  }
0x151: {  	v5 =	vld [tilespmem:s31+$0x1B2E0];
	[tilespmem:s29+$0x1DAE0] =	vst v21  }
0x152: {  	v7 =	vld [tilespmem:s31+$0x1B2F0];
	[tilespmem:s29+$0x1DAF0] =	vst v22  }
0x153: {  	v9 =	vld [tilespmem:s31+$0x1B300];
	[tilespmem:s29+$0x1DB00] =	vst v23  }
0x154: {  	v6 =	vld [tilespmem:s31+$0x1B310];
	[tilespmem:s29+$0x1DB10] =	vst v15  }
0x155: {  	v8 =	vld [tilespmem:s31+$0x1B320];
	[tilespmem:s29+$0x1DB20] =	vst v24  }
0x156: {  	v10 =	vld [tilespmem:s31+$0x1B330];
	[tilespmem:s29+$0x1DB30] =	vst v25  }
.Ltmp3:
0x157: {  	v11 =	vld [tilespmem:s31+$0x1B340];
	[tilespmem:s29+$0x1DB40] =	vst v26;
	(pc) =	sbr.rel @p1 .LBB2_8-.Ltmp3, $4  }
0x158: {  	v12 =	vld [tilespmem:s31+$0x1B350];
	[tilespmem:s29+$0x1DB50] =	vst v27  }
0x159: {  	v13 =	vld [tilespmem:s31+$0x1B360];
	[tilespmem:s29+$0x1DB60] =	vst v28;
	s29 =	smov.u32 s31  }
0x15a: {  	v15 =	vld [tilespmem:s29+$0x1B370]  }
0x15b: {  	s30 =	sadd.s32 $0x400, s30;
	v14 =	vld.idx.msk [tilespmem:v29+s20+$0x0], $0xffff  }
0x15c: {  	_ =	sdelay $0x3  }
0x15d: {  	v0 =	vld.idx.msk [tilespmem:v0+s20+$0x0], $0xffff  }
0x15e: {  	v1 =	vld.idx.msk [tilespmem:v1+s20+$0x0], $0xffff  }
0x15f: {  	v2 =	vld.idx.msk [tilespmem:v2+s20+$0x0], $0xffff  }
0x160: {  	v3 =	vld.idx.msk [tilespmem:v3+s20+$0x0], $0xffff  }
0x161: {  	v4 =	vld.idx.msk [tilespmem:v4+s20+$0x0], $0xffff  }
0x162: {  	v5 =	vld.idx.msk [tilespmem:v5+s20+$0x0], $0xffff  }
0x163: {  	v7 =	vld.idx.msk [tilespmem:v7+s20+$0x0], $0xffff  }
0x164: {  	v9 =	vld.idx.msk [tilespmem:v9+s20+$0x0], $0xffff  }
0x165: {  	v6 =	vld.idx.msk [tilespmem:v6+s20+$0x0], $0xffff  }
0x166: {  	v8 =	vld.idx.msk [tilespmem:v8+s20+$0x0], $0xffff  }
0x167: {  	v10 =	vld.idx.msk [tilespmem:v10+s20+$0x0], $0xffff  }
0x168: {  	v11 =	vld.idx.msk [tilespmem:v11+s20+$0x0], $0xffff  }
0x169: {  	v12 =	vld.idx.msk [tilespmem:v12+s20+$0x0], $0xffff  }
0x16a: {  	v13 =	vld.idx.msk [tilespmem:v13+s20+$0x0], $0xffff  }
0x16b: {  	v15 =	vld.idx.msk [tilespmem:v15+s20+$0x0], $0xffff;
	[tilespmem:s29+$0x1DA80] =	vst v14  }
0x16c: {  	[tilespmem:s29+$0x1DA90] =	vst v0  }
0x16d: {  	[tilespmem:s29+$0x1DAA0] =	vst v1  }
0x16e: {  	[tilespmem:s29+$0x1DAB0] =	vst v2  }
0x16f: {  	[tilespmem:s29+$0x1DAC0] =	vst v3  }
0x170: {  	[tilespmem:s29+$0x1DAD0] =	vst v4  }
0x171: {  	[tilespmem:s29+$0x1DAE0] =	vst v5  }
0x172: {  	[tilespmem:s29+$0x1DAF0] =	vst v7  }
0x173: {  	[tilespmem:s29+$0x1DB00] =	vst v9  }
0x174: {  	[tilespmem:s29+$0x1DB10] =	vst v6  }
0x175: {  	[tilespmem:s29+$0x1DB20] =	vst v8  }
0x176: {  	[tilespmem:s29+$0x1DB30] =	vst v10  }
0x177: {  	[tilespmem:s29+$0x1DB40] =	vst v11  }
0x178: {  	[tilespmem:s29+$0x1DB50] =	vst v12  }
0x179: {  	[tilespmem:s29+$0x1DB60] =	vst v13  }
0x17a: {  	[tilespmem:s29+$0x1DB70] =	vst v15  }
0x17b: {  	[hbm4b:s12+s15] =	stream.strided.scatter [tilespmem:s25], [sflag:$0x5], $0x1400, s16, s15, $0x38;
	[tilespmem:$0x1EF70] =	vst v63  }
0x17c: {  	_ =	swait.ge [sflag:s22], $0x1400  }
0x17d: {  	[sflag:s22] =	ssyncset.done $0x0  }
0x17e: {  	[sflag:s22] =	ssyncadd.s32 $0xFFFFEC00  }
0x17f: {  	_ =	swait.ge [sflag:s26], $0x1400  }
0x180: {  	[sflag:s26] =	ssyncset.done $0x0  }
0x181: {  	s29 =	simm.s32 $0xF0;
	[sflag:s26] =	ssyncadd.s32 $0xFFFFEC00  }
0x182: {  	v14 =	vld [tilespmem:s29+$0x19E80]  }
0x183: {  	v0 =	vld [tilespmem:s29+$0x19E90]  }
0x184: {  	v1 =	vld [tilespmem:s29+$0x19EA0]  }
0x185: {  	v2 =	vld [tilespmem:s29+$0x19EB0]  }
0x186: {  	v3 =	vld [tilespmem:s29+$0x19EC0]  }
0x187: {  	v4 =	vld [tilespmem:s29+$0x19ED0]  }
0x188: {  	v5 =	vld [tilespmem:s29+$0x19EE0]  }
0x189: {  	v7 =	vld [tilespmem:s29+$0x19EF0]  }
0x18a: {  	v9 =	vld [tilespmem:s29+$0x19F00]  }
0x18b: {  	v6 =	vld [tilespmem:s29+$0x19F10]  }
0x18c: {  	v8 =	vld [tilespmem:s29+$0x19F20]  }
0x18d: {  	v10 =	vld [tilespmem:s29+$0x19F30]  }
0x18e: {  	v11 =	vld [tilespmem:s29+$0x19F40]  }
0x18f: {  	v12 =	vld [tilespmem:s29+$0x19F50]  }
0x190: {  	v13 =	vld [tilespmem:s29+$0x19F60]  }
0x191: {  	v15 =	vld [tilespmem:s29+$0x19F70]  }
0x192: {  	s30 =	simm.s32 $0x7C0;
	v14 =	vld.idx.msk [tilespmem:v14+s20+$0x0], $0xffff  }
.LBB2_10:
0x193: {  	p1 =	sne.s32 s30, $0x4FC0;
	v16 =	vld.idx.msk [tilespmem:v0+s20+$0x0], $0xffff  }
0x194: {  	v17 =	vld.idx.msk [tilespmem:v1+s20+$0x0], $0xffff  }
0x195: {  	v18 =	vld.idx.msk [tilespmem:v2+s20+$0x0], $0xffff  }
0x196: {  	v19 =	vld.idx.msk [tilespmem:v3+s20+$0x0], $0xffff  }
0x197: {  	v20 =	vld.idx.msk [tilespmem:v4+s20+$0x0], $0xffff  }
0x198: {  	v21 =	vld.idx.msk [tilespmem:v5+s20+$0x0], $0xffff  }
0x199: {  	v22 =	vld.idx.msk [tilespmem:v7+s20+$0x0], $0xffff  }
0x19a: {  	v23 =	vld.idx.msk [tilespmem:v9+s20+$0x0], $0xffff  }
0x19b: {  	v0 =	vld.idx.msk [tilespmem:v15+s20+$0x0], $0xffff  }
0x19c: {  	v15 =	vld.idx.msk [tilespmem:v6+s20+$0x0], $0xffff  }
0x19d: {  	v24 =	vld.idx.msk [tilespmem:v8+s20+$0x0], $0xffff  }
0x19e: {  	v25 =	vld.idx.msk [tilespmem:v10+s20+$0x0], $0xffff  }
0x19f: {  	v26 =	vld.idx.msk [tilespmem:v11+s20+$0x0], $0xffff  }
0x1a0: {  	v27 =	vld.idx.msk [tilespmem:v12+s20+$0x0], $0xffff  }
0x1a1: {  	s31 =	sshra.s32 s30, $0x2;
	v28 =	vld.idx.msk [tilespmem:v13+s20+$0x0], $0xffff;
	[tilespmem:s29+$0x1C770] =	vst v0  }
0x1a2: {  	v29 =	vld [tilespmem:s31+$0x19E80];
	[tilespmem:s29+$0x1C680] =	vst v14  }
0x1a3: {  	v0 =	vld [tilespmem:s31+$0x19E90];
	[tilespmem:s29+$0x1C690] =	vst v16  }
0x1a4: {  	v1 =	vld [tilespmem:s31+$0x19EA0];
	[tilespmem:s29+$0x1C6A0] =	vst v17  }
0x1a5: {  	v2 =	vld [tilespmem:s31+$0x19EB0];
	[tilespmem:s29+$0x1C6B0] =	vst v18  }
0x1a6: {  	v3 =	vld [tilespmem:s31+$0x19EC0];
	[tilespmem:s29+$0x1C6C0] =	vst v19  }
0x1a7: {  	v4 =	vld [tilespmem:s31+$0x19ED0];
	[tilespmem:s29+$0x1C6D0] =	vst v20  }
0x1a8: {  	v5 =	vld [tilespmem:s31+$0x19EE0];
	[tilespmem:s29+$0x1C6E0] =	vst v21  }
0x1a9: {  	v7 =	vld [tilespmem:s31+$0x19EF0];
	[tilespmem:s29+$0x1C6F0] =	vst v22  }
0x1aa: {  	v9 =	vld [tilespmem:s31+$0x19F00];
	[tilespmem:s29+$0x1C700] =	vst v23  }
0x1ab: {  	v6 =	vld [tilespmem:s31+$0x19F10];
	[tilespmem:s29+$0x1C710] =	vst v15  }
0x1ac: {  	v8 =	vld [tilespmem:s31+$0x19F20];
	[tilespmem:s29+$0x1C720] =	vst v24  }
0x1ad: {  	v10 =	vld [tilespmem:s31+$0x19F30];
	[tilespmem:s29+$0x1C730] =	vst v25  }
.Ltmp4:
0x1ae: {  	v11 =	vld [tilespmem:s31+$0x19F40];
	[tilespmem:s29+$0x1C740] =	vst v26;
	(pc) =	sbr.rel @p1 .LBB2_10-.Ltmp4, $4  }
0x1af: {  	v12 =	vld [tilespmem:s31+$0x19F50];
	[tilespmem:s29+$0x1C750] =	vst v27  }
0x1b0: {  	v13 =	vld [tilespmem:s31+$0x19F60];
	[tilespmem:s29+$0x1C760] =	vst v28;
	s29 =	smov.u32 s31  }
0x1b1: {  	v15 =	vld [tilespmem:s29+$0x19F70]  }
0x1b2: {  	s30 =	sadd.s32 $0x400, s30;
	v14 =	vld.idx.msk [tilespmem:v29+s20+$0x0], $0xffff  }
0x1b3: {  	_ =	sdelay $0x3  }
0x1b4: {  	v0 =	vld.idx.msk [tilespmem:v0+s20+$0x0], $0xffff  }
0x1b5: {  	v1 =	vld.idx.msk [tilespmem:v1+s20+$0x0], $0xffff  }
0x1b6: {  	v2 =	vld.idx.msk [tilespmem:v2+s20+$0x0], $0xffff  }
0x1b7: {  	v3 =	vld.idx.msk [tilespmem:v3+s20+$0x0], $0xffff  }
0x1b8: {  	v4 =	vld.idx.msk [tilespmem:v4+s20+$0x0], $0xffff  }
0x1b9: {  	v5 =	vld.idx.msk [tilespmem:v5+s20+$0x0], $0xffff  }
0x1ba: {  	v7 =	vld.idx.msk [tilespmem:v7+s20+$0x0], $0xffff  }
0x1bb: {  	v9 =	vld.idx.msk [tilespmem:v9+s20+$0x0], $0xffff  }
0x1bc: {  	v6 =	vld.idx.msk [tilespmem:v6+s20+$0x0], $0xffff  }
0x1bd: {  	v8 =	vld.idx.msk [tilespmem:v8+s20+$0x0], $0xffff  }
0x1be: {  	v10 =	vld.idx.msk [tilespmem:v10+s20+$0x0], $0xffff  }
0x1bf: {  	v11 =	vld.idx.msk [tilespmem:v11+s20+$0x0], $0xffff  }
0x1c0: {  	v12 =	vld.idx.msk [tilespmem:v12+s20+$0x0], $0xffff  }
0x1c1: {  	v13 =	vld.idx.msk [tilespmem:v13+s20+$0x0], $0xffff  }
0x1c2: {  	v15 =	vld.idx.msk [tilespmem:v15+s20+$0x0], $0xffff;
	[tilespmem:s29+$0x1C680] =	vst v14  }
0x1c3: {  	[tilespmem:s29+$0x1C690] =	vst v0  }
0x1c4: {  	[tilespmem:s29+$0x1C6A0] =	vst v1  }
0x1c5: {  	[tilespmem:s29+$0x1C6B0] =	vst v2  }
0x1c6: {  	[tilespmem:s29+$0x1C6C0] =	vst v3  }
0x1c7: {  	[tilespmem:s29+$0x1C6D0] =	vst v4  }
0x1c8: {  	[tilespmem:s29+$0x1C6E0] =	vst v5  }
0x1c9: {  	[tilespmem:s29+$0x1C6F0] =	vst v7  }
0x1ca: {  	[tilespmem:s29+$0x1C700] =	vst v9  }
0x1cb: {  	[tilespmem:s29+$0x1C710] =	vst v6  }
0x1cc: {  	[tilespmem:s29+$0x1C720] =	vst v8  }
0x1cd: {  	[tilespmem:s29+$0x1C730] =	vst v10  }
0x1ce: {  	[tilespmem:s29+$0x1C740] =	vst v11  }
0x1cf: {  	[tilespmem:s29+$0x1C750] =	vst v12  }
0x1d0: {  	[tilespmem:s29+$0x1C760] =	vst v13  }
0x1d1: {  	s3 =	sadd.s32 $0x1, s3;
	[tilespmem:s29+$0x1C770] =	vst v15  }
0x1d2: {  	[hbm4b:s13+s15] =	stream.strided.scatter [tilespmem:s23], [sflag:$0x4], $0x1400, s16, s15, $0x38;
	[tilespmem:$0x1EF70] =	vst v63  }
0x1d3: {  	p1 =	sne.s32 s3, s14;
	_ =	swait.ge [sflag:s28], $0x1400  }
.Ltmp5:
0x1d4: {  	[sflag:s28] =	ssyncset.done $0x0;
	(pc) =	sbr.rel @p1 .LBB2_1-.Ltmp5, $4  }
0x1d5: {  	[sflag:s28] =	ssyncadd.s32 $0xFFFFEC00  }
0x1d6: {  	_ =	swait.ge [sflag:s26], $0x1400  }
0x1d7: {  	[sflag:s26] =	ssyncset.done $0x0  }
0x1d8: {  	[sflag:s26] =	ssyncadd.s32 $0xFFFFEC00  }
0x1d9: {  	_ =	sfence.sel $0x180000  }
0x1da: {  	[bflag:$0x0] =	sbarrier.arrive $0xFFFF  }
0x1db: {  	_ =	strace $0x90000047  }
0x1dc: {  	s0 =	sadd.s32 @!p0 $0x100000, s0;
	[bflag:$0x2] =	sbarrier.arrive $0xFFFF  }
0x1dd: {  	[sflag:s0] =	ssyncadd.tile.s32 @!p0 $0x1;
	_ =	shalt  }
.Lfunc_end2:
_tile_overlayer_lowered:
.L_overlay_start_2:
0x1de: {  	(tag) =	ssettag $0x2  }
0x1df: {  	s0 =	rddreg [dreg:$0x0];
	s2 =	stileid.u32  }
0x1e0: {  	s1 =	rddreg [dreg:$0x1];
	p0 =	sne.s32 s2, $0x0  }
0x1e1: {  	s3 =	rddreg [dreg:$0x2];
	[bflag:$0x3] =	sbarrier.arrive $0xFFFF;
	s2 =	simm.s32 @!p0 $0x1C06  }
0x1e2: {  	[timem:s3], [sflag:s2] =	dma.local @!p0 [hbm:s0], s1  }
0x1e3: {  	s0 =	simm.s32 @!p0 $0x6  }
0x1e4: {  	_ =	swait.ge @!p0 [sflag:s0], s1  }
0x1e5: {  	s1 =	ssub.s32 @!p0 $0x0, s1;
	[sflag:s0] =	ssyncset.done @!p0 $0x0  }
0x1e6: {  	[sflag:s0] =	ssyncadd.s32 @!p0 s1  }
0x1e7: {  	[bflag:$0x3] =	sbarrier.arrive $0xFFFF  }
0x1e8: {  	_ =	shalt  }

</sc_bundles>
